<compile_context>
chip_gen: v7x
topology: tpu7x:2x2x1
jax: 0.10.2.dev20260603
libtpu: 0.0.44.dev20260713+nightly
codegen_flags: <defaults>
</compile_context>

<pallas_src>
import functools

import jax
import jax.numpy as jnp
from jax import lax
from jax.experimental import pallas as pl
from jax.experimental.pallas import tpu as pltpu
from jax.experimental.pallas import tpu_sc as plsc

N = 10000
E = 160000
D = 256
DH = 128
DQ = 64
NQ = 4
NC, NS = 2, 16

NPAD = 10240
NACC = 10496
PER_TILE = NACC // NS

KB = 128
NB = 80
EPAD = NS * NB * KB
NB_H = EPAD // (NC * NS) // KB

_vec_mesh = plsc.VectorSubcoreMesh(core_axis_name="c", subcore_axis_name="s")


@functools.partial(
    pl.kernel,
    out_type=[
        jax.ShapeDtypeStruct((NACC,), jnp.float32),
        jax.ShapeDtypeStruct((NACC,), jnp.float32),
    ],
    mesh=_vec_mesh,
    scratch_types=[
        pltpu.VMEM((NB_H, KB), jnp.int32),
        pltpu.VMEM((KB,), jnp.float32),
        pltpu.VMEM((PER_TILE,), jnp.float32),
        pltpu.VMEM_SHARED((NACC,), jnp.float32),
    ],
)
def _deg_kernel(rows_hbm, degp0_hbm, degp1_hbm, idx_v, ones_v, zbuf_v, acc_deg):
    c = lax.axis_index("c")
    s = lax.axis_index("s")

    zero16 = jnp.zeros((16,), jnp.float32)
    one16 = jnp.ones((16,), jnp.float32)

    @pl.loop(0, PER_TILE // 16)
    def _(i):
        zbuf_v[pl.ds(i * 16, 16)] = zero16

    @pl.loop(0, KB // 16)
    def _(i):
        ones_v[pl.ds(i * 16, 16)] = one16

    pltpu.sync_copy(zbuf_v, acc_deg.at[pl.ds(s * PER_TILE, PER_TILE)])
    plsc.subcore_barrier()

    pltpu.sync_copy(rows_hbm.at[c * NS + s], idx_v)

    @pl.loop(0, NB_H)
    def _(b):
        pltpu.sync_copy(ones_v, acc_deg.at[idx_v.at[b]], add=True)

    plsc.subcore_barrier()

    pltpu.sync_copy(acc_deg.at[pl.ds(s * PER_TILE, PER_TILE)], zbuf_v)

    @pl.when(c == 0)
    def _():
        pltpu.sync_copy(zbuf_v, degp0_hbm.at[pl.ds(s * PER_TILE, PER_TILE)])

    @pl.when(c == 1)
    def _():
        pltpu.sync_copy(zbuf_v, degp1_hbm.at[pl.ds(s * PER_TILE, PER_TILE)])


BR = 512


def _perm_matrix():
    i = lax.broadcasted_iota(jnp.int32, (DQ, DQ), 0)
    j = lax.broadcasted_iota(jnp.int32, (DQ, DQ), 1)
    jm = j % 32
    src = (j - jm) + jnp.where(jm % 2 == 0, jm // 2, 16 + (jm - 1) // 2)
    return (i == src).astype(jnp.float32)


def _embed_body(x_ref, w_ref, b_ref, d_ref, emb_ref, inv_ref, embb_ref):
    deg = d_ref[:, 0] + d_ref[:, 1] + 1.0
    inv = lax.rsqrt(deg)
    acc = jnp.dot(x_ref[...], w_ref[0], preferred_element_type=jnp.float32)
    j = pl.program_id(1)
    bias = jnp.where(
        j == 0, b_ref[0],
        jnp.where(j == 1, b_ref[1], jnp.where(j == 2, b_ref[2], b_ref[3])))
    emb = (acc + bias[None, :]) * inv[:, None]
    emb_ref[0] = emb
    inv_ref[...] = inv[:, None]
    embb_ref[0] = jnp.dot(
        emb, _perm_matrix(), preferred_element_type=jnp.float32
    ).astype(jnp.bfloat16)


def _embed_call(xp, W4, b4, deg2):
    return pl.pallas_call(
        _embed_body,
        grid=(NPAD // BR, NQ),
        in_specs=[
            pl.BlockSpec((BR, D), lambda i, j: (i, 0)),
            pl.BlockSpec((1, D, DQ), lambda i, j: (j, 0, 0)),
            pl.BlockSpec((NQ, DQ), lambda i, j: (0, 0)),
            pl.BlockSpec((BR, 2), lambda i, j: (i, 0)),
        ],
        out_specs=[
            pl.BlockSpec((1, BR, DQ), lambda i, j: (j, i, 0)),
            pl.BlockSpec((BR, 1), lambda i, j: (i, 0)),
            pl.BlockSpec((1, BR, DQ), lambda i, j: (j, i, 0)),
        ],
        out_shape=[
            jax.ShapeDtypeStruct((NQ, NPAD, DQ), jnp.float32),
            jax.ShapeDtypeStruct((NPAD, 1), jnp.float32),
            jax.ShapeDtypeStruct((NQ, NPAD, DQ), jnp.bfloat16),
        ],
    )(xp, W4, b4, deg2)


NBUF = 4


@functools.partial(
    pl.kernel,
    out_type=jax.ShapeDtypeStruct((NQ, NACC, DQ), jnp.float32),
    mesh=_vec_mesh,
    scratch_types=[
        pltpu.VMEM((NB, KB), jnp.int32),
        pltpu.VMEM((NB, KB), jnp.int32),
        pltpu.VMEM((KB, DQ // 2), jnp.int32),
        pltpu.VMEM((KB, DQ), jnp.float32),
        pltpu.VMEM_SHARED((NACC, DQ), jnp.float32),
    ],
    compiler_params=pltpu.CompilerParams(
        use_tc_tiling_on_sc=False, needs_layout_passes=False),
)
def _agg_kernel(emb_hbm, embb_hbm, cols_hbm, rows_hbm, agg_hbm, col_v, row_v,
                gb, sb, acc):
    c = lax.axis_index("c")
    s = lax.axis_index("s")
    himask = jnp.full((16,), -65536, jnp.int32)
    sh16 = jnp.full((16,), 16, jnp.int32)

    pltpu.sync_copy(cols_hbm.at[s], col_v)
    pltpu.sync_copy(rows_hbm.at[s], row_v)

    for q in range(2):
        qi = 2 * c + q

        pltpu.sync_copy(
            emb_hbm.at[qi, pl.ds(s * PER_TILE, PER_TILE)],
            acc.at[pl.ds(s * PER_TILE, PER_TILE)],
        )
        plsc.subcore_barrier()

        @pl.loop(0, NB)
        def _(b):
            pltpu.sync_copy(embb_hbm.at[qi].at[col_v.at[b]], gb)

            @pl.loop(0, KB, unroll=8)
            def _(r):
                for h in range(2):
                    x = gb[r, pl.ds(16 * h, 16)]
                    lo = plsc.bitcast(lax.shift_left(x, sh16), jnp.float32)
                    hi = plsc.bitcast(x & himask, jnp.float32)
                    sb[r, pl.ds(32 * h, 16)] = lo
                    sb[r, pl.ds(32 * h + 16, 16)] = hi

            pltpu.sync_copy(sb, acc.at[row_v.at[b]], add=True)

        plsc.subcore_barrier()
        pltpu.sync_copy(
            acc.at[pl.ds(s * PER_TILE, PER_TILE)],
            agg_hbm.at[qi, pl.ds(s * PER_TILE, PER_TILE)],
        )
        plsc.subcore_barrier()


def _final_body(a_ref, inv_ref, o_ref):
    inv = inv_ref[...]
    for q in range(NQ):
        o_ref[:, q * DQ:(q + 1) * DQ] = a_ref[q] * inv


def _final_call(agg, inv):
    return pl.pallas_call(
        _final_body,
        grid=(NPAD // BR,),
        in_specs=[
            pl.BlockSpec((NQ, BR, DQ), lambda i: (0, i, 0)),
            pl.BlockSpec((BR, 1), lambda i: (i, 0)),
        ],
        out_specs=pl.BlockSpec((BR, D), lambda i: (i, 0)),
        out_shape=jax.ShapeDtypeStruct((NPAD, D), jnp.float32),
    )(agg[:, :NPAD], inv)


def kernel(x, edge_index, W, b):
    rows = edge_index[0].astype(jnp.int32)
    cols = edge_index[1].astype(jnp.int32)
    rows_f = jnp.concatenate(
        [rows, jnp.full((EPAD - E,), NPAD, jnp.int32)])
    cols_f = jnp.concatenate([cols, jnp.zeros((EPAD - E,), jnp.int32)])
    rows_h = rows_f.reshape(NC * NS, NB_H, KB)
    degp0, degp1 = _deg_kernel(rows_h)
    deg2 = jnp.stack([degp0, degp1], axis=1)[:NPAD]

    xp = jnp.pad(x, ((0, NPAD - N), (0, 0)))
    b4 = b.reshape(NQ, DQ)
    W4 = jnp.transpose(W.reshape(D, NQ, DQ), (1, 0, 2))
    emb2, inv, embb = _embed_call(xp, W4, b4, deg2)
    emb2p = jnp.pad(emb2, ((0, 0), (0, NACC - NPAD), (0, 0)))
    embb_i = lax.bitcast_convert_type(
        embb.reshape(NQ, NPAD, DQ // 2, 2), jnp.int32)
    embb_ip = jnp.pad(embb_i, ((0, 0), (0, NACC - NPAD), (0, 0)))

    rows_a = rows_f.reshape(NS, NB, KB)
    cols_a = cols_f.reshape(NS, NB, KB)
    agg = _agg_kernel(emb2p, embb_ip, cols_a, rows_a)

    out = _final_call(agg, inv)
    return out[:N]

# --- scband reference (transcript-rebuilt; emitter-appended) ---
"""Pipeline reference for scband-gcnlayer-29240137351253 (READ-ONLY COPY).

The authoritative reference and input builder live on the scoring server;
editing this copy changes nothing except your own understanding.
"""

import jax, jax.numpy as jnp
import numpy as np

N = 10000
E = 160000
D_IN = 256
D_OUT = 256


def setup_inputs(seed: int = 0) -> dict:
    key = jax.random.key(seed)
    k1, k2, k3, k4 = jax.random.split(key, 4)
    x = jax.random.normal(k1, (N, D_IN), dtype=jnp.float32)
    edge_index = jax.random.randint(k2, (2, E), 0, N, dtype=jnp.int32).astype(jnp.int64)
    # Linear layer params (nn.Linear(in_features, out_features)): W stored as (D_IN, D_OUT) for x @ W
    W = jax.random.normal(k3, (D_IN, D_OUT), dtype=jnp.float32) * (1.0 / np.sqrt(D_IN))
    b = jax.random.uniform(k4, (D_OUT,), dtype=jnp.float32, minval=-1.0 / np.sqrt(D_IN), maxval=1.0 / np.sqrt(D_IN))
    return {"x": x, "edge_index": edge_index, "W": W, "b": b}


def reference(x, edge_index, W, b):
    # Build A_hat = A + I in COO edge form
    rows = edge_index[0]
    cols = edge_index[1]
    self_loops = jnp.arange(N, dtype=rows.dtype)
    rows = jnp.concatenate([rows, self_loops])
    cols = jnp.concatenate([cols, self_loops])
    # Degree matrix D = diag(row sums of A_hat)
    deg = jax.ops.segment_sum(jnp.ones(rows.shape[0], dtype=jnp.float32), rows, num_segments=N)
    inv_sqrt_deg = 1.0 / jnp.sqrt(jnp.maximum(deg, 1e-12))
    # Symmetric normalization: w_ij = D^{-1/2}[i] * A_hat[i,j] * D^{-1/2}[j]
    w = inv_sqrt_deg[rows] * inv_sqrt_deg[cols]
    # embed = Linear(x)
    embedded = x @ W + b
    # out = normalized_adj @ embedded  (sparse matmul via gather + scatter-add)
    out = jax.ops.segment_sum(w[:, None] * embedded[cols], rows, num_segments=N)
    return out

if __name__ == "__main__":
    import jax
    _d = setup_inputs()
    print(jax.jit(kernel)(*tuple(_d.values())))

</pallas_src>

<mosaic_0001>
#map = affine_map<(d0, d1) -> (0, 0, 0)>
#map1 = affine_map<(d0, d1) -> (0)>
module attributes {stable_mosaic.version = 14 : i64} {
  func.func @_deg_kernel(%arg0: i32, %arg1: i32, %arg2: memref<32x40x128xi32, #tpu.memory_space<hbm>>, %arg3: memref<10496xf32, #tpu.memory_space<hbm>>, %arg4: memref<10496xf32, #tpu.memory_space<hbm>>, %arg5: memref<40x128xi32, #tpu.memory_space<vmem>>, %arg6: memref<128xf32, #tpu.memory_space<vmem>>, %arg7: memref<656xf32, #tpu.memory_space<vmem>>, %arg8: memref<10496xf32, #tpu.memory_space<vmem_shared>>) attributes {dimension_semantics = [#tpu.dimension_semantics<core_parallel>, #tpu.dimension_semantics<subcore_parallel>], iteration_bounds = array<i64: 2, 16>, scalar_prefetch = 0 : i64, scratch_operands = 4 : i64, tpu.core_type = #tpu.core_type<sc_vector_subcore>, window_params = [{transform_indices = #map}, {transform_indices = #map1}, {transform_indices = #map1}]} {
    %broadcast_in_dim3A = arith.constant 0.000000e+00 : f32
    %broadcast_in_dim3A_0 = vector.broadcast %broadcast_in_dim3A : f32 to vector<16xf32>
    %broadcast_in_dim3A_1 = arith.constant 1.000000e+00 : f32
    %broadcast_in_dim3A_2 = vector.broadcast %broadcast_in_dim3A_1 : f32 to vector<16xf32>
    %scan3A = arith.constant 0 : i32
    %scan3A_3 = arith.constant 41 : i32
    %scan3A_4 = arith.addi %scan3A, %scan3A_3 : i32
    %scan3A_5 = arith.constant 1 : i32
    scf.for %scan3A_30 = %scan3A to %scan3A_4 step %scan3A_5  : i32 {
      %mul3A_31 = arith.constant 1 : i32
      %mul3A_32 = arith.muli %scan3A_30, %mul3A_31 : i32
      %add3A_33 = arith.constant 0 : i32
      %add3A_34 = arith.addi %add3A_33, %mul3A_32 : i32
      %mul3A_35 = arith.constant 16 : i32
      %mul3A_36 = arith.muli %add3A_34, %mul3A_35 : i32
      %swap3A = arith.index_cast %mul3A_36 : i32 to index
      %swap3A_37 = tpu.vector_load %arg7[%swap3A] {strides = array<i32>} : memref<656xf32, #tpu.memory_space<vmem>>, vector<16xf32>,
      %swap3A_38 = vector.shape_cast %swap3A_37 : vector<16xf32> to vector<16xf32>
      %swap3A_39 = vector.shape_cast %broadcast_in_dim3A_0 : vector<16xf32> to vector<16xf32>
      tpu.vector_store %arg7[%swap3A], %swap3A_39 {strides = array<i32>} : memref<656xf32, #tpu.memory_space<vmem>>, vector<16xf32>,
    }
    %scan3A_6 = arith.constant 41 : i32
    %scan3A_7 = arith.constant 0 : i32
    %scan3A_8 = arith.constant 8 : i32
    %scan3A_9 = arith.addi %scan3A_7, %scan3A_8 : i32
    %scan3A_10 = arith.constant 1 : i32
    scf.for %scan3A_30 = %scan3A_7 to %scan3A_9 step %scan3A_10  : i32 {
      %mul3A_31 = arith.constant 1 : i32
      %mul3A_32 = arith.muli %scan3A_30, %mul3A_31 : i32
      %add3A_33 = arith.constant 0 : i32
      %add3A_34 = arith.addi %add3A_33, %mul3A_32 : i32
      %mul3A_35 = arith.constant 16 : i32
      %mul3A_36 = arith.muli %add3A_34, %mul3A_35 : i32
      %swap3A = arith.index_cast %mul3A_36 : i32 to index
      %swap3A_37 = tpu.vector_load %arg6[%swap3A] {strides = array<i32>} : memref<128xf32, #tpu.memory_space<vmem>>, vector<16xf32>,
      %swap3A_38 = vector.shape_cast %swap3A_37 : vector<16xf32> to vector<16xf32>
      %swap3A_39 = vector.shape_cast %broadcast_in_dim3A_2 : vector<16xf32> to vector<16xf32>
      tpu.vector_store %arg6[%swap3A], %swap3A_39 {strides = array<i32>} : memref<128xf32, #tpu.memory_space<vmem>>, vector<16xf32>,
    }
    %scan3A_11 = arith.constant 8 : i32
    %mul3A = arith.constant 656 : i32
    %mul3A_12 = arith.muli %arg1, %mul3A : i32
    "tpu.region"() ({
      %run_scoped3A = tpu.sem_alloc : memref<!tpu.dma_semaphore, #tpu.memory_space<semaphore_mem>>
      %dma_start3A = tpu.memref_slice %arg8[%mul3A_12] : memref<10496xf32, #tpu.memory_space<vmem_shared>> -> memref<656xf32, #tpu.memory_space<vmem_shared>>
      %dma_start3A_30 = tpu.memref_slice %arg8[%mul3A_12] : memref<10496xf32, #tpu.memory_space<vmem_shared>> -> memref<656xf32, #tpu.memory_space<vmem_shared>>
      tpu.enqueue_dma source(%arg7 : memref<656xf32, #tpu.memory_space<vmem>>) target(%dma_start3A_30 : memref<656xf32, #tpu.memory_space<vmem_shared>>) target_semaphore(%run_scoped3A : memref<!tpu.dma_semaphore, #tpu.memory_space<semaphore_mem>>)
      %dma_wait3A = tpu.memref_slice %arg8[%mul3A_12] : memref<10496xf32, #tpu.memory_space<vmem_shared>> -> memref<656xf32, #tpu.memory_space<vmem_shared>>
      %dma_wait3A_31 = tpu.memref_slice %arg8[%mul3A_12] : memref<10496xf32, #tpu.memory_space<vmem_shared>> -> memref<656xf32, #tpu.memory_space<vmem_shared>>
      tpu.wait_dma2 semaphore(%run_scoped3A : memref<!tpu.dma_semaphore, #tpu.memory_space<semaphore_mem>>) src(%arg7 : memref<656xf32, #tpu.memory_space<vmem>>) dst(%dma_wait3A_31 : memref<656xf32, #tpu.memory_space<vmem_shared>>)
      tpu.yield
    }) : () -> ()
    %barrier3A = arith.constant 0 : index
    tpu.barrier barrier_id(%barrier3A)
    %mul3A_13 = arith.constant 16 : i32
    %mul3A_14 = arith.muli %arg0, %mul3A_13 : i32
    %add3A = arith.addi %mul3A_14, %arg1 : i32
    "tpu.region"() ({
      %run_scoped3A = tpu.sem_alloc : memref<!tpu.dma_semaphore, #tpu.memory_space<semaphore_mem>>
      %dma_start3A = arith.constant 0 : i32
      %dma_start3A_30 = arith.constant 0 : i32
      %dma_start3A_31 = tpu.memref_slice %arg2[%add3A, %dma_start3A, %dma_start3A_30] : memref<32x40x128xi32, #tpu.memory_space<hbm>> -> memref<1x40x128xi32, #tpu.memory_space<hbm>>
      %dma_start3A_32 = tpu.memref_squeeze %dma_start3A_31 : memref<1x40x128xi32, #tpu.memory_space<hbm>> -> memref<40x128xi32, #tpu.memory_space<hbm>>
      %dma_start3A_33 = arith.constant 0 : i32
      %dma_start3A_34 = arith.constant 0 : i32
      %dma_start3A_35 = tpu.memref_slice %arg2[%add3A, %dma_start3A_33, %dma_start3A_34] : memref<32x40x128xi32, #tpu.memory_space<hbm>> -> memref<1x40x128xi32, #tpu.memory_space<hbm>>
      %dma_start3A_36 = tpu.memref_squeeze %dma_start3A_35 : memref<1x40x128xi32, #tpu.memory_space<hbm>> -> memref<40x128xi32, #tpu.memory_space<hbm>>
      tpu.enqueue_dma source(%dma_start3A_36 : memref<40x128xi32, #tpu.memory_space<hbm>>) target(%arg5 : memref<40x128xi32, #tpu.memory_space<vmem>>) target_semaphore(%run_scoped3A : memref<!tpu.dma_semaphore, #tpu.memory_space<semaphore_mem>>)
      %dma_wait3A = arith.constant 0 : i32
      %dma_wait3A_37 = arith.constant 0 : i32
      %dma_wait3A_38 = tpu.memref_slice %arg2[%add3A, %dma_wait3A, %dma_wait3A_37] : memref<32x40x128xi32, #tpu.memory_space<hbm>> -> memref<1x40x128xi32, #tpu.memory_space<hbm>>
      %dma_wait3A_39 = tpu.memref_squeeze %dma_wait3A_38 : memref<1x40x128xi32, #tpu.memory_space<hbm>> -> memref<40x128xi32, #tpu.memory_space<hbm>>
      %dma_wait3A_40 = arith.constant 0 : i32
      %dma_wait3A_41 = arith.constant 0 : i32
      %dma_wait3A_42 = tpu.memref_slice %arg2[%add3A, %dma_wait3A_40, %dma_wait3A_41] : memref<32x40x128xi32, #tpu.memory_space<hbm>> -> memref<1x40x128xi32, #tpu.memory_space<hbm>>
      %dma_wait3A_43 = tpu.memref_squeeze %dma_wait3A_42 : memref<1x40x128xi32, #tpu.memory_space<hbm>> -> memref<40x128xi32, #tpu.memory_space<hbm>>
      tpu.wait_dma2 semaphore(%run_scoped3A : memref<!tpu.dma_semaphore, #tpu.memory_space<semaphore_mem>>) src(%dma_wait3A_43 : memref<40x128xi32, #tpu.memory_space<hbm>>) dst(%arg5 : memref<40x128xi32, #tpu.memory_space<vmem>>)
      tpu.yield
    }) : () -> ()
    %scan3A_15 = arith.constant 0 : i32
    %scan3A_16 = arith.constant 40 : i32
    %scan3A_17 = arith.addi %scan3A_15, %scan3A_16 : i32
    %scan3A_18 = arith.constant 1 : i32
    scf.for %scan3A_30 = %scan3A_15 to %scan3A_17 step %scan3A_18  : i32 {
      %mul3A_31 = arith.constant 1 : i32
      %mul3A_32 = arith.muli %scan3A_30, %mul3A_31 : i32
      %add3A_33 = arith.constant 0 : i32
      %add3A_34 = arith.addi %add3A_33, %mul3A_32 : i32
      "tpu.region"() ({
        %run_scoped3A = tpu.sem_alloc : memref<!tpu.dma_semaphore, #tpu.memory_space<semaphore_mem>>
        %dma_start3A = arith.constant 0 : i32
        %dma_start3A_35 = tpu.memref_slice %arg5[%add3A_34, %dma_start3A] : memref<40x128xi32, #tpu.memory_space<vmem>> -> memref<1x128xi32, #tpu.memory_space<vmem>>
        %dma_start3A_36 = tpu.memref_squeeze %dma_start3A_35 : memref<1x128xi32, #tpu.memory_space<vmem>> -> memref<128xi32, #tpu.memory_space<vmem>>
        %dma_start3A_37 = arith.constant 0 : i32
        %dma_start3A_38 = tpu.memref_slice %arg8[%dma_start3A_37] : memref<10496xf32, #tpu.memory_space<vmem_shared>> -> memref<10496xf32, #tpu.memory_space<vmem_shared>>
        tpu.enqueue_indirect_dma source(%arg6 : memref<128xf32, #tpu.memory_space<vmem>>) target(%dma_start3A_38 : memref<10496xf32, #tpu.memory_space<vmem_shared>>) offsets(%dma_start3A_36 : memref<128xi32, #tpu.memory_space<vmem>>) semaphore(%run_scoped3A : memref<!tpu.dma_semaphore, #tpu.memory_space<semaphore_mem>>) {add = true}
        %dma_wait3A = arith.constant 0 : i32
        %dma_wait3A_39 = tpu.memref_slice %arg5[%add3A_34, %dma_wait3A] : memref<40x128xi32, #tpu.memory_space<vmem>> -> memref<1x128xi32, #tpu.memory_space<vmem>>
        %dma_wait3A_40 = tpu.memref_squeeze %dma_wait3A_39 : memref<1x128xi32, #tpu.memory_space<vmem>> -> memref<128xi32, #tpu.memory_space<vmem>>
        %dma_wait3A_41 = arith.constant 0 : i32
        %dma_wait3A_42 = tpu.memref_slice %arg8[%dma_wait3A_41] : memref<10496xf32, #tpu.memory_space<vmem_shared>> -> memref<10496xf32, #tpu.memory_space<vmem_shared>>
        tpu.wait_indirect_dma semaphore(%run_scoped3A : memref<!tpu.dma_semaphore, #tpu.memory_space<semaphore_mem>>) src(%arg6 : memref<128xf32, #tpu.memory_space<vmem>>) dst(%dma_wait3A_42 : memref<10496xf32, #tpu.memory_space<vmem_shared>>)
        tpu.yield
      }) : () -> ()
    }
    %scan3A_19 = arith.constant 40 : i32
    %barrier3A_20 = arith.constant 0 : index
    tpu.barrier barrier_id(%barrier3A_20)
    %mul3A_21 = arith.constant 656 : i32
    %mul3A_22 = arith.muli %arg1, %mul3A_21 : i32
    "tpu.region"() ({
      %run_scoped3A = tpu.sem_alloc : memref<!tpu.dma_semaphore, #tpu.memory_space<semaphore_mem>>
      %dma_start3A = tpu.memref_slice %arg8[%mul3A_22] : memref<10496xf32, #tpu.memory_space<vmem_shared>> -> memref<656xf32, #tpu.memory_space<vmem_shared>>
      %dma_start3A_30 = tpu.memref_slice %arg8[%mul3A_22] : memref<10496xf32, #tpu.memory_space<vmem_shared>> -> memref<656xf32, #tpu.memory_space<vmem_shared>>
      tpu.enqueue_dma source(%dma_start3A_30 : memref<656xf32, #tpu.memory_space<vmem_shared>>) target(%arg7 : memref<656xf32, #tpu.memory_space<vmem>>) target_semaphore(%run_scoped3A : memref<!tpu.dma_semaphore, #tpu.memory_space<semaphore_mem>>)
      %dma_wait3A = tpu.memref_slice %arg8[%mul3A_22] : memref<10496xf32, #tpu.memory_space<vmem_shared>> -> memref<656xf32, #tpu.memory_space<vmem_shared>>
      %dma_wait3A_31 = tpu.memref_slice %arg8[%mul3A_22] : memref<10496xf32, #tpu.memory_space<vmem_shared>> -> memref<656xf32, #tpu.memory_space<vmem_shared>>
      tpu.wait_dma2 semaphore(%run_scoped3A : memref<!tpu.dma_semaphore, #tpu.memory_space<semaphore_mem>>) src(%dma_wait3A_31 : memref<656xf32, #tpu.memory_space<vmem_shared>>) dst(%arg7 : memref<656xf32, #tpu.memory_space<vmem>>)
      tpu.yield
    }) : () -> ()
    %eq3A = arith.constant 0 : i32
    %eq3A_23 = arith.cmpi eq, %arg0, %eq3A : i32
    %convert_element_type3A = arith.extui %eq3A_23 : i1 to i32
    %cond3A = arith.constant 0 : i32
    %cond3A_24 = arith.cmpi ne, %convert_element_type3A, %cond3A : i32
    scf.if %cond3A_24 {
      %mul3A_30 = arith.constant 656 : i32
      %mul3A_31 = arith.muli %arg1, %mul3A_30 : i32
      "tpu.region"() ({
        %run_scoped3A = tpu.sem_alloc : memref<!tpu.dma_semaphore, #tpu.memory_space<semaphore_mem>>
        %dma_start3A = tpu.memref_slice %arg3[%mul3A_31] : memref<10496xf32, #tpu.memory_space<hbm>> -> memref<656xf32, #tpu.memory_space<hbm>>
        %dma_start3A_32 = tpu.memref_slice %arg3[%mul3A_31] : memref<10496xf32, #tpu.memory_space<hbm>> -> memref<656xf32, #tpu.memory_space<hbm>>
        tpu.enqueue_dma source(%arg7 : memref<656xf32, #tpu.memory_space<vmem>>) target(%dma_start3A_32 : memref<656xf32, #tpu.memory_space<hbm>>) target_semaphore(%run_scoped3A : memref<!tpu.dma_semaphore, #tpu.memory_space<semaphore_mem>>)
        %dma_wait3A = tpu.memref_slice %arg3[%mul3A_31] : memref<10496xf32, #tpu.memory_space<hbm>> -> memref<656xf32, #tpu.memory_space<hbm>>
        %dma_wait3A_33 = tpu.memref_slice %arg3[%mul3A_31] : memref<10496xf32, #tpu.memory_space<hbm>> -> memref<656xf32, #tpu.memory_space<hbm>>
        tpu.wait_dma2 semaphore(%run_scoped3A : memref<!tpu.dma_semaphore, #tpu.memory_space<semaphore_mem>>) src(%arg7 : memref<656xf32, #tpu.memory_space<vmem>>) dst(%dma_wait3A_33 : memref<656xf32, #tpu.memory_space<hbm>>)
        tpu.yield
      }) : () -> ()
    } else {
    }
    %eq3A_25 = arith.constant 1 : i32
    %eq3A_26 = arith.cmpi eq, %arg0, %eq3A_25 : i32
    %convert_element_type3A_27 = arith.extui %eq3A_26 : i1 to i32
    %cond3A_28 = arith.constant 0 : i32
    %cond3A_29 = arith.cmpi ne, %convert_element_type3A_27, %cond3A_28 : i32
    scf.if %cond3A_29 {
      %mul3A_30 = arith.constant 656 : i32
      %mul3A_31 = arith.muli %arg1, %mul3A_30 : i32
      "tpu.region"() ({
        %run_scoped3A = tpu.sem_alloc : memref<!tpu.dma_semaphore, #tpu.memory_space<semaphore_mem>>
        %dma_start3A = tpu.memref_slice %arg4[%mul3A_31] : memref<10496xf32, #tpu.memory_space<hbm>> -> memref<656xf32, #tpu.memory_space<hbm>>
        %dma_start3A_32 = tpu.memref_slice %arg4[%mul3A_31] : memref<10496xf32, #tpu.memory_space<hbm>> -> memref<656xf32, #tpu.memory_space<hbm>>
        tpu.enqueue_dma source(%arg7 : memref<656xf32, #tpu.memory_space<vmem>>) target(%dma_start3A_32 : memref<656xf32, #tpu.memory_space<hbm>>) target_semaphore(%run_scoped3A : memref<!tpu.dma_semaphore, #tpu.memory_space<semaphore_mem>>)
        %dma_wait3A = tpu.memref_slice %arg4[%mul3A_31] : memref<10496xf32, #tpu.memory_space<hbm>> -> memref<656xf32, #tpu.memory_space<hbm>>
        %dma_wait3A_33 = tpu.memref_slice %arg4[%mul3A_31] : memref<10496xf32, #tpu.memory_space<hbm>> -> memref<656xf32, #tpu.memory_space<hbm>>
        tpu.wait_dma2 semaphore(%run_scoped3A : memref<!tpu.dma_semaphore, #tpu.memory_space<semaphore_mem>>) src(%arg7 : memref<656xf32, #tpu.memory_space<vmem>>) dst(%dma_wait3A_33 : memref<656xf32, #tpu.memory_space<hbm>>)
        tpu.yield
      }) : () -> ()
    } else {
    }
    return
  }
}

#map = affine_map<(d0, d1) -> (0, 0, 0)>
module attributes {stable_mosaic.version = 14 : i64} {
  func.func @_agg_kernel(%arg0: i32, %arg1: i32, %arg2: memref<4x10496x64xf32, #tpu.memory_space<hbm>>, %arg3: memref<4x10496x32xi32, #tpu.memory_space<hbm>>, %arg4: memref<16x80x128xi32, #tpu.memory_space<hbm>>, %arg5: memref<16x80x128xi32, #tpu.memory_space<hbm>>, %arg6: memref<4x10496x64xf32, #tpu.memory_space<hbm>>, %arg7: memref<80x128xi32, #tpu.memory_space<vmem>>, %arg8: memref<80x128xi32, #tpu.memory_space<vmem>>, %arg9: memref<128x32xi32, #tpu.memory_space<vmem>>, %arg10: memref<128x64xf32, #tpu.memory_space<vmem>>, %arg11: memref<10496x64xf32, #tpu.memory_space<vmem_shared>>) attributes {dimension_semantics = [#tpu.dimension_semantics<core_parallel>, #tpu.dimension_semantics<subcore_parallel>], iteration_bounds = array<i64: 2, 16>, scalar_prefetch = 0 : i64, scratch_operands = 5 : i64, tpu.core_type = #tpu.core_type<sc_vector_subcore>, window_params = [{transform_indices = #map}, {transform_indices = #map}, {transform_indices = #map}, {transform_indices = #map}, {transform_indices = #map}]} {
    %broadcast_in_dim3A = arith.constant -65536 : i32
    %broadcast_in_dim3A_0 = vector.broadcast %broadcast_in_dim3A : i32 to vector<16xi32>
    %broadcast_in_dim3A_1 = arith.constant 16 : i32
    %broadcast_in_dim3A_2 = vector.broadcast %broadcast_in_dim3A_1 : i32 to vector<16xi32>
    "tpu.region"() ({
      %run_scoped3A = tpu.sem_alloc : memref<!tpu.dma_semaphore, #tpu.memory_space<semaphore_mem>>
      %dma_start3A = arith.constant 0 : i32
      %dma_start3A_39 = arith.constant 0 : i32
      %dma_start3A_40 = tpu.memref_slice %arg4[%arg1, %dma_start3A, %dma_start3A_39] : memref<16x80x128xi32, #tpu.memory_space<hbm>> -> memref<1x80x128xi32, #tpu.memory_space<hbm>>
      %dma_start3A_41 = tpu.memref_squeeze %dma_start3A_40 : memref<1x80x128xi32, #tpu.memory_space<hbm>> -> memref<80x128xi32, #tpu.memory_space<hbm>>
      %dma_start3A_42 = arith.constant 0 : i32
      %dma_start3A_43 = arith.constant 0 : i32
      %dma_start3A_44 = tpu.memref_slice %arg4[%arg1, %dma_start3A_42, %dma_start3A_43] : memref<16x80x128xi32, #tpu.memory_space<hbm>> -> memref<1x80x128xi32, #tpu.memory_space<hbm>>
      %dma_start3A_45 = tpu.memref_squeeze %dma_start3A_44 : memref<1x80x128xi32, #tpu.memory_space<hbm>> -> memref<80x128xi32, #tpu.memory_space<hbm>>
      tpu.enqueue_dma source(%dma_start3A_45 : memref<80x128xi32, #tpu.memory_space<hbm>>) target(%arg7 : memref<80x128xi32, #tpu.memory_space<vmem>>) target_semaphore(%run_scoped3A : memref<!tpu.dma_semaphore, #tpu.memory_space<semaphore_mem>>)
      %dma_wait3A = arith.constant 0 : i32
      %dma_wait3A_46 = arith.constant 0 : i32
      %dma_wait3A_47 = tpu.memref_slice %arg4[%arg1, %dma_wait3A, %dma_wait3A_46] : memref<16x80x128xi32, #tpu.memory_space<hbm>> -> memref<1x80x128xi32, #tpu.memory_space<hbm>>
      %dma_wait3A_48 = tpu.memref_squeeze %dma_wait3A_47 : memref<1x80x128xi32, #tpu.memory_space<hbm>> -> memref<80x128xi32, #tpu.memory_space<hbm>>
      %dma_wait3A_49 = arith.constant 0 : i32
      %dma_wait3A_50 = arith.constant 0 : i32
      %dma_wait3A_51 = tpu.memref_slice %arg4[%arg1, %dma_wait3A_49, %dma_wait3A_50] : memref<16x80x128xi32, #tpu.memory_space<hbm>> -> memref<1x80x128xi32, #tpu.memory_space<hbm>>
      %dma_wait3A_52 = tpu.memref_squeeze %dma_wait3A_51 : memref<1x80x128xi32, #tpu.memory_space<hbm>> -> memref<80x128xi32, #tpu.memory_space<hbm>>
      tpu.wait_dma2 semaphore(%run_scoped3A : memref<!tpu.dma_semaphore, #tpu.memory_space<semaphore_mem>>) src(%dma_wait3A_52 : memref<80x128xi32, #tpu.memory_space<hbm>>) dst(%arg7 : memref<80x128xi32, #tpu.memory_space<vmem>>)
      tpu.yield
    }) : () -> ()
    "tpu.region"() ({
      %run_scoped3A = tpu.sem_alloc : memref<!tpu.dma_semaphore, #tpu.memory_space<semaphore_mem>>
      %dma_start3A = arith.constant 0 : i32
      %dma_start3A_39 = arith.constant 0 : i32
      %dma_start3A_40 = tpu.memref_slice %arg5[%arg1, %dma_start3A, %dma_start3A_39] : memref<16x80x128xi32, #tpu.memory_space<hbm>> -> memref<1x80x128xi32, #tpu.memory_space<hbm>>
      %dma_start3A_41 = tpu.memref_squeeze %dma_start3A_40 : memref<1x80x128xi32, #tpu.memory_space<hbm>> -> memref<80x128xi32, #tpu.memory_space<hbm>>
      %dma_start3A_42 = arith.constant 0 : i32
      %dma_start3A_43 = arith.constant 0 : i32
      %dma_start3A_44 = tpu.memref_slice %arg5[%arg1, %dma_start3A_42, %dma_start3A_43] : memref<16x80x128xi32, #tpu.memory_space<hbm>> -> memref<1x80x128xi32, #tpu.memory_space<hbm>>
      %dma_start3A_45 = tpu.memref_squeeze %dma_start3A_44 : memref<1x80x128xi32, #tpu.memory_space<hbm>> -> memref<80x128xi32, #tpu.memory_space<hbm>>
      tpu.enqueue_dma source(%dma_start3A_45 : memref<80x128xi32, #tpu.memory_space<hbm>>) target(%arg8 : memref<80x128xi32, #tpu.memory_space<vmem>>) target_semaphore(%run_scoped3A : memref<!tpu.dma_semaphore, #tpu.memory_space<semaphore_mem>>)
      %dma_wait3A = arith.constant 0 : i32
      %dma_wait3A_46 = arith.constant 0 : i32
      %dma_wait3A_47 = tpu.memref_slice %arg5[%arg1, %dma_wait3A, %dma_wait3A_46] : memref<16x80x128xi32, #tpu.memory_space<hbm>> -> memref<1x80x128xi32, #tpu.memory_space<hbm>>
      %dma_wait3A_48 = tpu.memref_squeeze %dma_wait3A_47 : memref<1x80x128xi32, #tpu.memory_space<hbm>> -> memref<80x128xi32, #tpu.memory_space<hbm>>
      %dma_wait3A_49 = arith.constant 0 : i32
      %dma_wait3A_50 = arith.constant 0 : i32
      %dma_wait3A_51 = tpu.memref_slice %arg5[%arg1, %dma_wait3A_49, %dma_wait3A_50] : memref<16x80x128xi32, #tpu.memory_space<hbm>> -> memref<1x80x128xi32, #tpu.memory_space<hbm>>
      %dma_wait3A_52 = tpu.memref_squeeze %dma_wait3A_51 : memref<1x80x128xi32, #tpu.memory_space<hbm>> -> memref<80x128xi32, #tpu.memory_space<hbm>>
      tpu.wait_dma2 semaphore(%run_scoped3A : memref<!tpu.dma_semaphore, #tpu.memory_space<semaphore_mem>>) src(%dma_wait3A_52 : memref<80x128xi32, #tpu.memory_space<hbm>>) dst(%arg8 : memref<80x128xi32, #tpu.memory_space<vmem>>)
      tpu.yield
    }) : () -> ()
    %mul3A = arith.constant 2 : i32
    %mul3A_3 = arith.muli %mul3A, %arg0 : i32
    %add3A = arith.constant 0 : i32
    %add3A_4 = arith.addi %mul3A_3, %add3A : i32
    %mul3A_5 = arith.constant 656 : i32
    %mul3A_6 = arith.muli %arg1, %mul3A_5 : i32
    %mul3A_7 = arith.constant 656 : i32
    %mul3A_8 = arith.muli %arg1, %mul3A_7 : i32
    "tpu.region"() ({
      %run_scoped3A = tpu.sem_alloc : memref<!tpu.dma_semaphore, #tpu.memory_space<semaphore_mem>>
      %dma_start3A = arith.constant 0 : i32
      %dma_start3A_39 = tpu.memref_slice %arg11[%mul3A_8, %dma_start3A] : memref<10496x64xf32, #tpu.memory_space<vmem_shared>> -> memref<656x64xf32, #tpu.memory_space<vmem_shared>>
      %dma_start3A_40 = arith.constant 0 : i32
      %dma_start3A_41 = tpu.memref_slice %arg2[%add3A_4, %mul3A_6, %dma_start3A_40] : memref<4x10496x64xf32, #tpu.memory_space<hbm>> -> memref<1x656x64xf32, #tpu.memory_space<hbm>>
      %dma_start3A_42 = tpu.memref_squeeze %dma_start3A_41 : memref<1x656x64xf32, #tpu.memory_space<hbm>> -> memref<656x64xf32, #tpu.memory_space<hbm>>
      tpu.enqueue_dma source(%dma_start3A_42 : memref<656x64xf32, #tpu.memory_space<hbm>>) target(%dma_start3A_39 : memref<656x64xf32, #tpu.memory_space<vmem_shared>>) target_semaphore(%run_scoped3A : memref<!tpu.dma_semaphore, #tpu.memory_space<semaphore_mem>>)
      %dma_wait3A = arith.constant 0 : i32
      %dma_wait3A_43 = tpu.memref_slice %arg11[%mul3A_8, %dma_wait3A] : memref<10496x64xf32, #tpu.memory_space<vmem_shared>> -> memref<656x64xf32, #tpu.memory_space<vmem_shared>>
      %dma_wait3A_44 = arith.constant 0 : i32
      %dma_wait3A_45 = tpu.memref_slice %arg2[%add3A_4, %mul3A_6, %dma_wait3A_44] : memref<4x10496x64xf32, #tpu.memory_space<hbm>> -> memref<1x656x64xf32, #tpu.memory_space<hbm>>
      %dma_wait3A_46 = tpu.memref_squeeze %dma_wait3A_45 : memref<1x656x64xf32, #tpu.memory_space<hbm>> -> memref<656x64xf32, #tpu.memory_space<hbm>>
      tpu.wait_dma2 semaphore(%run_scoped3A : memref<!tpu.dma_semaphore, #tpu.memory_space<semaphore_mem>>) src(%dma_wait3A_46 : memref<656x64xf32, #tpu.memory_space<hbm>>) dst(%dma_wait3A_43 : memref<656x64xf32, #tpu.memory_space<vmem_shared>>)
      tpu.yield
    }) : () -> ()
    %barrier3A = arith.constant 0 : index
    tpu.barrier barrier_id(%barrier3A)
    %scan3A = arith.constant 0 : i32
    %scan3A_9 = arith.constant 80 : i32
    %scan3A_10 = arith.addi %scan3A, %scan3A_9 : i32
    %scan3A_11 = arith.constant 1 : i32
    scf.for %scan3A_39 = %scan3A to %scan3A_10 step %scan3A_11  : i32 {
      %mul3A_40 = arith.constant 1 : i32
      %mul3A_41 = arith.muli %scan3A_39, %mul3A_40 : i32
      %add3A_42 = arith.constant 0 : i32
      %add3A_43 = arith.addi %add3A_42, %mul3A_41 : i32
      "tpu.region"() ({
        %run_scoped3A = tpu.sem_alloc : memref<!tpu.dma_semaphore, #tpu.memory_space<semaphore_mem>>
        %dma_start3A = arith.constant 0 : i32
        %dma_start3A_49 = tpu.memref_slice %arg7[%add3A_43, %dma_start3A] : memref<80x128xi32, #tpu.memory_space<vmem>> -> memref<1x128xi32, #tpu.memory_space<vmem>>
        %dma_start3A_50 = tpu.memref_squeeze %dma_start3A_49 : memref<1x128xi32, #tpu.memory_space<vmem>> -> memref<128xi32, #tpu.memory_space<vmem>>
        %dma_start3A_51 = arith.constant 0 : i32
        %dma_start3A_52 = arith.constant 0 : i32
        %dma_start3A_53 = tpu.memref_slice %arg3[%add3A_4, %dma_start3A_51, %dma_start3A_52] : memref<4x10496x32xi32, #tpu.memory_space<hbm>> -> memref<1x10496x32xi32, #tpu.memory_space<hbm>>
        %dma_start3A_54 = tpu.memref_squeeze %dma_start3A_53 : memref<1x10496x32xi32, #tpu.memory_space<hbm>> -> memref<10496x32xi32, #tpu.memory_space<hbm>>
        %dma_start3A_55 = arith.constant 0 : i32
        %dma_start3A_56 = arith.constant 0 : i32
        %dma_start3A_57 = tpu.memref_slice %dma_start3A_54[%dma_start3A_55, %dma_start3A_56] : memref<10496x32xi32, #tpu.memory_space<hbm>> -> memref<10496x32xi32, #tpu.memory_space<hbm>>
        tpu.enqueue_indirect_dma source(%dma_start3A_57 : memref<10496x32xi32, #tpu.memory_space<hbm>>) target(%arg9 : memref<128x32xi32, #tpu.memory_space<vmem>>) offsets(%dma_start3A_50 : memref<128xi32, #tpu.memory_space<vmem>>) semaphore(%run_scoped3A : memref<!tpu.dma_semaphore, #tpu.memory_space<semaphore_mem>>)
        %dma_wait3A = arith.constant 0 : i32
        %dma_wait3A_58 = tpu.memref_slice %arg7[%add3A_43, %dma_wait3A] : memref<80x128xi32, #tpu.memory_space<vmem>> -> memref<1x128xi32, #tpu.memory_space<vmem>>
        %dma_wait3A_59 = tpu.memref_squeeze %dma_wait3A_58 : memref<1x128xi32, #tpu.memory_space<vmem>> -> memref<128xi32, #tpu.memory_space<vmem>>
        %dma_wait3A_60 = arith.constant 0 : i32
        %dma_wait3A_61 = arith.constant 0 : i32
        %dma_wait3A_62 = tpu.memref_slice %arg3[%add3A_4, %dma_wait3A_60, %dma_wait3A_61] : memref<4x10496x32xi32, #tpu.memory_space<hbm>> -> memref<1x10496x32xi32, #tpu.memory_space<hbm>>
        %dma_wait3A_63 = tpu.memref_squeeze %dma_wait3A_62 : memref<1x10496x32xi32, #tpu.memory_space<hbm>> -> memref<10496x32xi32, #tpu.memory_space<hbm>>
        %dma_wait3A_64 = arith.constant 0 : i32
        %dma_wait3A_65 = arith.constant 0 : i32
        %dma_wait3A_66 = tpu.memref_slice %dma_wait3A_63[%dma_wait3A_64, %dma_wait3A_65] : memref<10496x32xi32, #tpu.memory_space<hbm>> -> memref<10496x32xi32, #tpu.memory_space<hbm>>
        tpu.wait_indirect_dma semaphore(%run_scoped3A : memref<!tpu.dma_semaphore, #tpu.memory_space<semaphore_mem>>) src(%dma_wait3A_66 : memref<10496x32xi32, #tpu.memory_space<hbm>>) dst(%arg9 : memref<128x32xi32, #tpu.memory_space<vmem>>)
        tpu.yield
      }) : () -> ()
      %scan3A_44 = arith.constant 0 : i32
      %scan3A_45 = arith.constant 128 : i32
      %scan3A_46 = arith.addi %scan3A_44, %scan3A_45 : i32
      %scan3A_47 = arith.constant 8 : i32
      scf.for %scan3A_49 = %scan3A_44 to %scan3A_46 step %scan3A_47  : i32 {
        %mul3A_50 = arith.constant 1 : i32
        %mul3A_51 = arith.muli %scan3A_49, %mul3A_50 : i32
        %add3A_52 = arith.constant 0 : i32
        %add3A_53 = arith.addi %add3A_52, %mul3A_51 : i32
        %get3A = arith.index_cast %add3A_53 : i32 to index
        %get3A_54 = arith.constant 0 : index
        %get3A_55 = tpu.vector_load %arg9[%get3A, %get3A_54] {strides = array<i32>} : memref<128x32xi32, #tpu.memory_space<vmem>>, vector<16xi32>,
        %shift_left3A = arith.shli %get3A_55, %broadcast_in_dim3A_2 : vector<16xi32>
        %bitcast3A = vector.bitcast %shift_left3A : vector<16xi32> to vector<16xf32>
        %and3A = arith.andi %get3A_55, %broadcast_in_dim3A_0 : vector<16xi32>
        %bitcast3A_56 = vector.bitcast %and3A : vector<16xi32> to vector<16xf32>
        %swap3A = arith.index_cast %add3A_53 : i32 to index
        %swap3A_57 = arith.constant 0 : index
        %swap3A_58 = tpu.vector_load %arg10[%swap3A, %swap3A_57] {strides = array<i32>} : memref<128x64xf32, #tpu.memory_space<vmem>>, vector<16xf32>,
        tpu.vector_store %arg10[%swap3A, %swap3A_57], %bitcast3A {strides = array<i32>} : memref<128x64xf32, #tpu.memory_space<vmem>>, vector<16xf32>,
        %swap3A_59 = arith.index_cast %add3A_53 : i32 to index
        %swap3A_60 = arith.constant 16 : index
        %swap3A_61 = tpu.vector_load %arg10[%swap3A_59, %swap3A_60] {strides = array<i32>} : memref<128x64xf32, #tpu.memory_space<vmem>>, vector<16xf32>,
        tpu.vector_store %arg10[%swap3A_59, %swap3A_60], %bitcast3A_56 {strides = array<i32>} : memref<128x64xf32, #tpu.memory_space<vmem>>, vector<16xf32>,
        %get3A_62 = arith.index_cast %add3A_53 : i32 to index
        %get3A_63 = arith.constant 16 : index
        %get3A_64 = tpu.vector_load %arg9[%get3A_62, %get3A_63] {strides = array<i32>} : memref<128x32xi32, #tpu.memory_space<vmem>>, vector<16xi32>,
        %shift_left3A_65 = arith.shli %get3A_64, %broadcast_in_dim3A_2 : vector<16xi32>
        %bitcast3A_66 = vector.bitcast %shift_left3A_65 : vector<16xi32> to vector<16xf32>
        %and3A_67 = arith.andi %get3A_64, %broadcast_in_dim3A_0 : vector<16xi32>
        %bitcast3A_68 = vector.bitcast %and3A_67 : vector<16xi32> to vector<16xf32>
        %swap3A_69 = arith.index_cast %add3A_53 : i32 to index
        %swap3A_70 = arith.constant 32 : index
        %swap3A_71 = tpu.vector_load %arg10[%swap3A_69, %swap3A_70] {strides = array<i32>} : memref<128x64xf32, #tpu.memory_space<vmem>>, vector<16xf32>,
        tpu.vector_store %arg10[%swap3A_69, %swap3A_70], %bitcast3A_66 {strides = array<i32>} : memref<128x64xf32, #tpu.memory_space<vmem>>, vector<16xf32>,
        %swap3A_72 = arith.index_cast %add3A_53 : i32 to index
        %swap3A_73 = arith.constant 48 : index
        %swap3A_74 = tpu.vector_load %arg10[%swap3A_72, %swap3A_73] {strides = array<i32>} : memref<128x64xf32, #tpu.memory_space<vmem>>, vector<16xf32>,
        tpu.vector_store %arg10[%swap3A_72, %swap3A_73], %bitcast3A_68 {strides = array<i32>} : memref<128x64xf32, #tpu.memory_space<vmem>>, vector<16xf32>,
        %scan3A_75 = arith.constant 1 : i32
        %scan3A_76 = arith.addi %scan3A_49, %scan3A_75 : i32
        %mul3A_77 = arith.constant 1 : i32
        %mul3A_78 = arith.muli %scan3A_76, %mul3A_77 : i32
        %add3A_79 = arith.constant 0 : i32
        %add3A_80 = arith.addi %add3A_79, %mul3A_78 : i32
        %get3A_81 = arith.index_cast %add3A_80 : i32 to index
        %get3A_82 = arith.constant 0 : index
        %get3A_83 = tpu.vector_load %arg9[%get3A_81, %get3A_82] {strides = array<i32>} : memref<128x32xi32, #tpu.memory_space<vmem>>, vector<16xi32>,
        %shift_left3A_84 = arith.shli %get3A_83, %broadcast_in_dim3A_2 : vector<16xi32>
        %bitcast3A_85 = vector.bitcast %shift_left3A_84 : vector<16xi32> to vector<16xf32>
        %and3A_86 = arith.andi %get3A_83, %broadcast_in_dim3A_0 : vector<16xi32>
        %bitcast3A_87 = vector.bitcast %and3A_86 : vector<16xi32> to vector<16xf32>
        %swap3A_88 = arith.index_cast %add3A_80 : i32 to index
        %swap3A_89 = arith.constant 0 : index
        %swap3A_90 = tpu.vector_load %arg10[%swap3A_88, %swap3A_89] {strides = array<i32>} : memref<128x64xf32, #tpu.memory_space<vmem>>, vector<16xf32>,
        tpu.vector_store %arg10[%swap3A_88, %swap3A_89], %bitcast3A_85 {strides = array<i32>} : memref<128x64xf32, #tpu.memory_space<vmem>>, vector<16xf32>,
        %swap3A_91 = arith.index_cast %add3A_80 : i32 to index
        %swap3A_92 = arith.constant 16 : index
        %swap3A_93 = tpu.vector_load %arg10[%swap3A_91, %swap3A_92] {strides = array<i32>} : memref<128x64xf32, #tpu.memory_space<vmem>>, vector<16xf32>,
        tpu.vector_store %arg10[%swap3A_91, %swap3A_92], %bitcast3A_87 {strides = array<i32>} : memref<128x64xf32, #tpu.memory_space<vmem>>, vector<16xf32>,
        %get3A_94 = arith.index_cast %add3A_80 : i32 to index
        %get3A_95 = arith.constant 16 : index
        %get3A_96 = tpu.vector_load %arg9[%get3A_94, %get3A_95] {strides = array<i32>} : memref<128x32xi32, #tpu.memory_space<vmem>>, vector<16xi32>,
        %shift_left3A_97 = arith.shli %get3A_96, %broadcast_in_dim3A_2 : vector<16xi32>
        %bitcast3A_98 = vector.bitcast %shift_left3A_97 : vector<16xi32> to vector<16xf32>
        %and3A_99 = arith.andi %get3A_96, %broadcast_in_dim3A_0 : vector<16xi32>
        %bitcast3A_100 = vector.bitcast %and3A_99 : vector<16xi32> to vector<16xf32>
        %swap3A_101 = arith.index_cast %add3A_80 : i32 to index
        %swap3A_102 = arith.constant 32 : index
        %swap3A_103 = tpu.vector_load %arg10[%swap3A_101, %swap3A_102] {strides = array<i32>} : memref<128x64xf32, #tpu.memory_space<vmem>>, vector<16xf32>,
        tpu.vector_store %arg10[%swap3A_101, %swap3A_102], %bitcast3A_98 {strides = array<i32>} : memref<128x64xf32, #tpu.memory_space<vmem>>, vector<16xf32>,
        %swap3A_104 = arith.index_cast %add3A_80 : i32 to index
        %swap3A_105 = arith.constant 48 : index
        %swap3A_106 = tpu.vector_load %arg10[%swap3A_104, %swap3A_105] {strides = array<i32>} : memref<128x64xf32, #tpu.memory_space<vmem>>, vector<16xf32>,
        tpu.vector_store %arg10[%swap3A_104, %swap3A_105], %bitcast3A_100 {strides = array<i32>} : memref<128x64xf32, #tpu.memory_space<vmem>>, vector<16xf32>,
        %scan3A_107 = arith.constant 2 : i32
        %scan3A_108 = arith.addi %scan3A_49, %scan3A_107 : i32
        %mul3A_109 = arith.constant 1 : i32
        %mul3A_110 = arith.muli %scan3A_108, %mul3A_109 : i32
        %add3A_111 = arith.constant 0 : i32
        %add3A_112 = arith.addi %add3A_111, %mul3A_110 : i32
        %get3A_113 = arith.index_cast %add3A_112 : i32 to index
        %get3A_114 = arith.constant 0 : index
        %get3A_115 = tpu.vector_load %arg9[%get3A_113, %get3A_114] {strides = array<i32>} : memref<128x32xi32, #tpu.memory_space<vmem>>, vector<16xi32>,
        %shift_left3A_116 = arith.shli %get3A_115, %broadcast_in_dim3A_2 : vector<16xi32>
        %bitcast3A_117 = vector.bitcast %shift_left3A_116 : vector<16xi32> to vector<16xf32>
        %and3A_118 = arith.andi %get3A_115, %broadcast_in_dim3A_0 : vector<16xi32>
        %bitcast3A_119 = vector.bitcast %and3A_118 : vector<16xi32> to vector<16xf32>
        %swap3A_120 = arith.index_cast %add3A_112 : i32 to index
        %swap3A_121 = arith.constant 0 : index
        %swap3A_122 = tpu.vector_load %arg10[%swap3A_120, %swap3A_121] {strides = array<i32>} : memref<128x64xf32, #tpu.memory_space<vmem>>, vector<16xf32>,
        tpu.vector_store %arg10[%swap3A_120, %swap3A_121], %bitcast3A_117 {strides = array<i32>} : memref<128x64xf32, #tpu.memory_space<vmem>>, vector<16xf32>,
        %swap3A_123 = arith.index_cast %add3A_112 : i32 to index
        %swap3A_124 = arith.constant 16 : index
        %swap3A_125 = tpu.vector_load %arg10[%swap3A_123, %swap3A_124] {strides = array<i32>} : memref<128x64xf32, #tpu.memory_space<vmem>>, vector<16xf32>,
        tpu.vector_store %arg10[%swap3A_123, %swap3A_124], %bitcast3A_119 {strides = array<i32>} : memref<128x64xf32, #tpu.memory_space<vmem>>, vector<16xf32>,
        %get3A_126 = arith.index_cast %add3A_112 : i32 to index
        %get3A_127 = arith.constant 16 : index
        %get3A_128 = tpu.vector_load %arg9[%get3A_126, %get3A_127] {strides = array<i32>} : memref<128x32xi32, #tpu.memory_space<vmem>>, vector<16xi32>,
        %shift_left3A_129 = arith.shli %get3A_128, %broadcast_in_dim3A_2 : vector<16xi32>
        %bitcast3A_130 = vector.bitcast %shift_left3A_129 : vector<16xi32> to vector<16xf32>
        %and3A_131 = arith.andi %get3A_128, %broadcast_in_dim3A_0 : vector<16xi32>
        %bitcast3A_132 = vector.bitcast %and3A_131 : vector<16xi32> to vector<16xf32>
        %swap3A_133 = arith.index_cast %add3A_112 : i32 to index
        %swap3A_134 = arith.constant 32 : index
        %swap3A_135 = tpu.vector_load %arg10[%swap3A_133, %swap3A_134] {strides = array<i32>} : memref<128x64xf32, #tpu.memory_space<vmem>>, vector<16xf32>,
        tpu.vector_store %arg10[%swap3A_133, %swap3A_134], %bitcast3A_130 {strides = array<i32>} : memref<128x64xf32, #tpu.memory_space<vmem>>, vector<16xf32>,
        %swap3A_136 = arith.index_cast %add3A_112 : i32 to index
        %swap3A_137 = arith.constant 48 : index
        %swap3A_138 = tpu.vector_load %arg10[%swap3A_136, %swap3A_137] {strides = array<i32>} : memref<128x64xf32, #tpu.memory_space<vmem>>, vector<16xf32>,
        tpu.vector_store %arg10[%swap3A_136, %swap3A_137], %bitcast3A_132 {strides = array<i32>} : memref<128x64xf32, #tpu.memory_space<vmem>>, vector<16xf32>,
        %scan3A_139 = arith.constant 3 : i32
        %scan3A_140 = arith.addi %scan3A_49, %scan3A_139 : i32
        %mul3A_141 = arith.constant 1 : i32
        %mul3A_142 = arith.muli %scan3A_140, %mul3A_141 : i32
        %add3A_143 = arith.constant 0 : i32
        %add3A_144 = arith.addi %add3A_143, %mul3A_142 : i32
        %get3A_145 = arith.index_cast %add3A_144 : i32 to index
        %get3A_146 = arith.constant 0 : index
        %get3A_147 = tpu.vector_load %arg9[%get3A_145, %get3A_146] {strides = array<i32>} : memref<128x32xi32, #tpu.memory_space<vmem>>, vector<16xi32>,
        %shift_left3A_148 = arith.shli %get3A_147, %broadcast_in_dim3A_2 : vector<16xi32>
        %bitcast3A_149 = vector.bitcast %shift_left3A_148 : vector<16xi32> to vector<16xf32>
        %and3A_150 = arith.andi %get3A_147, %broadcast_in_dim3A_0 : vector<16xi32>
        %bitcast3A_151 = vector.bitcast %and3A_150 : vector<16xi32> to vector<16xf32>
        %swap3A_152 = arith.index_cast %add3A_144 : i32 to index
        %swap3A_153 = arith.constant 0 : index
        %swap3A_154 = tpu.vector_load %arg10[%swap3A_152, %swap3A_153] {strides = array<i32>} : memref<128x64xf32, #tpu.memory_space<vmem>>, vector<16xf32>,
        tpu.vector_store %arg10[%swap3A_152, %swap3A_153], %bitcast3A_149 {strides = array<i32>} : memref<128x64xf32, #tpu.memory_space<vmem>>, vector<16xf32>,
        %swap3A_155 = arith.index_cast %add3A_144 : i32 to index
        %swap3A_156 = arith.constant 16 : index
        %swap3A_157 = tpu.vector_load %arg10[%swap3A_155, %swap3A_156] {strides = array<i32>} : memref<128x64xf32, #tpu.memory_space<vmem>>, vector<16xf32>,
        tpu.vector_store %arg10[%swap3A_155, %swap3A_156], %bitcast3A_151 {strides = array<i32>} : memref<128x64xf32, #tpu.memory_space<vmem>>, vector<16xf32>,
        %get3A_158 = arith.index_cast %add3A_144 : i32 to index
        %get3A_159 = arith.constant 16 : index
        %get3A_160 = tpu.vector_load %arg9[%get3A_158, %get3A_159] {strides = array<i32>} : memref<128x32xi32, #tpu.memory_space<vmem>>, vector<16xi32>,
        %shift_left3A_161 = arith.shli %get3A_160, %broadcast_in_dim3A_2 : vector<16xi32>
        %bitcast3A_162 = vector.bitcast %shift_left3A_161 : vector<16xi32> to vector<16xf32>
        %and3A_163 = arith.andi %get3A_160, %broadcast_in_dim3A_0 : vector<16xi32>
        %bitcast3A_164 = vector.bitcast %and3A_163 : vector<16xi32> to vector<16xf32>
        %swap3A_165 = arith.index_cast %add3A_144 : i32 to index
        %swap3A_166 = arith.constant 32 : index
        %swap3A_167 = tpu.vector_load %arg10[%swap3A_165, %swap3A_166] {strides = array<i32>} : memref<128x64xf32, #tpu.memory_space<vmem>>, vector<16xf32>,
        tpu.vector_store %arg10[%swap3A_165, %swap3A_166], %bitcast3A_162 {strides = array<i32>} : memref<128x64xf32, #tpu.memory_space<vmem>>, vector<16xf32>,
        %swap3A_168 = arith.index_cast %add3A_144 : i32 to index
        %swap3A_169 = arith.constant 48 : index
        %swap3A_170 = tpu.vector_load %arg10[%swap3A_168, %swap3A_169] {strides = array<i32>} : memref<128x64xf32, #tpu.memory_space<vmem>>, vector<16xf32>,
        tpu.vector_store %arg10[%swap3A_168, %swap3A_169], %bitcast3A_164 {strides = array<i32>} : memref<128x64xf32, #tpu.memory_space<vmem>>, vector<16xf32>,
        %scan3A_171 = arith.constant 4 : i32
        %scan3A_172 = arith.addi %scan3A_49, %scan3A_171 : i32
        %mul3A_173 = arith.constant 1 : i32
        %mul3A_174 = arith.muli %scan3A_172, %mul3A_173 : i32
        %add3A_175 = arith.constant 0 : i32
        %add3A_176 = arith.addi %add3A_175, %mul3A_174 : i32
        %get3A_177 = arith.index_cast %add3A_176 : i32 to index
        %get3A_178 = arith.constant 0 : index
        %get3A_179 = tpu.vector_load %arg9[%get3A_177, %get3A_178] {strides = array<i32>} : memref<128x32xi32, #tpu.memory_space<vmem>>, vector<16xi32>,
        %shift_left3A_180 = arith.shli %get3A_179, %broadcast_in_dim3A_2 : vector<16xi32>
        %bitcast3A_181 = vector.bitcast %shift_left3A_180 : vector<16xi32> to vector<16xf32>
        %and3A_182 = arith.andi %get3A_179, %broadcast_in_dim3A_0 : vector<16xi32>
        %bitcast3A_183 = vector.bitcast %and3A_182 : vector<16xi32> to vector<16xf32>
        %swap3A_184 = arith.index_cast %add3A_176 : i32 to index
        %swap3A_185 = arith.constant 0 : index
        %swap3A_186 = tpu.vector_load %arg10[%swap3A_184, %swap3A_185] {strides = array<i32>} : memref<128x64xf32, #tpu.memory_space<vmem>>, vector<16xf32>,
        tpu.vector_store %arg10[%swap3A_184, %swap3A_185], %bitcast3A_181 {strides = array<i32>} : memref<128x64xf32, #tpu.memory_space<vmem>>, vector<16xf32>,
        %swap3A_187 = arith.index_cast %add3A_176 : i32 to index
        %swap3A_188 = arith.constant 16 : index
        %swap3A_189 = tpu.vector_load %arg10[%swap3A_187, %swap3A_188] {strides = array<i32>} : memref<128x64xf32, #tpu.memory_space<vmem>>, vector<16xf32>,
        tpu.vector_store %arg10[%swap3A_187, %swap3A_188], %bitcast3A_183 {strides = array<i32>} : memref<128x64xf32, #tpu.memory_space<vmem>>, vector<16xf32>,
        %get3A_190 = arith.index_cast %add3A_176 : i32 to index
        %get3A_191 = arith.constant 16 : index
        %get3A_192 = tpu.vector_load %arg9[%get3A_190, %get3A_191] {strides = array<i32>} : memref<128x32xi32, #tpu.memory_space<vmem>>, vector<16xi32>,
        %shift_left3A_193 = arith.shli %get3A_192, %broadcast_in_dim3A_2 : vector<16xi32>
        %bitcast3A_194 = vector.bitcast %shift_left3A_193 : vector<16xi32> to vector<16xf32>
        %and3A_195 = arith.andi %get3A_192, %broadcast_in_dim3A_0 : vector<16xi32>
        %bitcast3A_196 = vector.bitcast %and3A_195 : vector<16xi32> to vector<16xf32>
        %swap3A_197 = arith.index_cast %add3A_176 : i32 to index
        %swap3A_198 = arith.constant 32 : index
        %swap3A_199 = tpu.vector_load %arg10[%swap3A_197, %swap3A_198] {strides = array<i32>} : memref<128x64xf32, #tpu.memory_space<vmem>>, vector<16xf32>,
        tpu.vector_store %arg10[%swap3A_197, %swap3A_198], %bitcast3A_194 {strides = array<i32>} : memref<128x64xf32, #tpu.memory_space<vmem>>, vector<16xf32>,
        %swap3A_200 = arith.index_cast %add3A_176 : i32 to index
        %swap3A_201 = arith.constant 48 : index
        %swap3A_202 = tpu.vector_load %arg10[%swap3A_200, %swap3A_201] {strides = array<i32>} : memref<128x64xf32, #tpu.memory_space<vmem>>, vector<16xf32>,
        tpu.vector_store %arg10[%swap3A_200, %swap3A_201], %bitcast3A_196 {strides = array<i32>} : memref<128x64xf32, #tpu.memory_space<vmem>>, vector<16xf32>,
        %scan3A_203 = arith.constant 5 : i32
        %scan3A_204 = arith.addi %scan3A_49, %scan3A_203 : i32
        %mul3A_205 = arith.constant 1 : i32
        %mul3A_206 = arith.muli %scan3A_204, %mul3A_205 : i32
        %add3A_207 = arith.constant 0 : i32
        %add3A_208 = arith.addi %add3A_207, %mul3A_206 : i32
        %get3A_209 = arith.index_cast %add3A_208 : i32 to index
        %get3A_210 = arith.constant 0 : index
        %get3A_211 = tpu.vector_load %arg9[%get3A_209, %get3A_210] {strides = array<i32>} : memref<128x32xi32, #tpu.memory_space<vmem>>, vector<16xi32>,
        %shift_left3A_212 = arith.shli %get3A_211, %broadcast_in_dim3A_2 : vector<16xi32>
        %bitcast3A_213 = vector.bitcast %shift_left3A_212 : vector<16xi32> to vector<16xf32>
        %and3A_214 = arith.andi %get3A_211, %broadcast_in_dim3A_0 : vector<16xi32>
        %bitcast3A_215 = vector.bitcast %and3A_214 : vector<16xi32> to vector<16xf32>
        %swap3A_216 = arith.index_cast %add3A_208 : i32 to index
        %swap3A_217 = arith.constant 0 : index
        %swap3A_218 = tpu.vector_load %arg10[%swap3A_216, %swap3A_217] {strides = array<i32>} : memref<128x64xf32, #tpu.memory_space<vmem>>, vector<16xf32>,
        tpu.vector_store %arg10[%swap3A_216, %swap3A_217], %bitcast3A_213 {strides = array<i32>} : memref<128x64xf32, #tpu.memory_space<vmem>>, vector<16xf32>,
        %swap3A_219 = arith.index_cast %add3A_208 : i32 to index
        %swap3A_220 = arith.constant 16 : index
        %swap3A_221 = tpu.vector_load %arg10[%swap3A_219, %swap3A_220] {strides = array<i32>} : memref<128x64xf32, #tpu.memory_space<vmem>>, vector<16xf32>,
        tpu.vector_store %arg10[%swap3A_219, %swap3A_220], %bitcast3A_215 {strides = array<i32>} : memref<128x64xf32, #tpu.memory_space<vmem>>, vector<16xf32>,
        %get3A_222 = arith.index_cast %add3A_208 : i32 to index
        %get3A_223 = arith.constant 16 : index
        %get3A_224 = tpu.vector_load %arg9[%get3A_222, %get3A_223] {strides = array<i32>} : memref<128x32xi32, #tpu.memory_space<vmem>>, vector<16xi32>,
        %shift_left3A_225 = arith.shli %get3A_224, %broadcast_in_dim3A_2 : vector<16xi32>
        %bitcast3A_226 = vector.bitcast %shift_left3A_225 : vector<16xi32> to vector<16xf32>
        %and3A_227 = arith.andi %get3A_224, %broadcast_in_dim3A_0 : vector<16xi32>
        %bitcast3A_228 = vector.bitcast %and3A_227 : vector<16xi32> to vector<16xf32>
        %swap3A_229 = arith.index_cast %add3A_208 : i32 to index
        %swap3A_230 = arith.constant 32 : index
        %swap3A_231 = tpu.vector_load %arg10[%swap3A_229, %swap3A_230] {strides = array<i32>} : memref<128x64xf32, #tpu.memory_space<vmem>>, vector<16xf32>,
        tpu.vector_store %arg10[%swap3A_229, %swap3A_230], %bitcast3A_226 {strides = array<i32>} : memref<128x64xf32, #tpu.memory_space<vmem>>, vector<16xf32>,
        %swap3A_232 = arith.index_cast %add3A_208 : i32 to index
        %swap3A_233 = arith.constant 48 : index
        %swap3A_234 = tpu.vector_load %arg10[%swap3A_232, %swap3A_233] {strides = array<i32>} : memref<128x64xf32, #tpu.memory_space<vmem>>, vector<16xf32>,
        tpu.vector_store %arg10[%swap3A_232, %swap3A_233], %bitcast3A_228 {strides = array<i32>} : memref<128x64xf32, #tpu.memory_space<vmem>>, vector<16xf32>,
        %scan3A_235 = arith.constant 6 : i32
        %scan3A_236 = arith.addi %scan3A_49, %scan3A_235 : i32
        %mul3A_237 = arith.constant 1 : i32
        %mul3A_238 = arith.muli %scan3A_236, %mul3A_237 : i32
        %add3A_239 = arith.constant 0 : i32
        %add3A_240 = arith.addi %add3A_239, %mul3A_238 : i32
        %get3A_241 = arith.index_cast %add3A_240 : i32 to index
        %get3A_242 = arith.constant 0 : index
        %get3A_243 = tpu.vector_load %arg9[%get3A_241, %get3A_242] {strides = array<i32>} : memref<128x32xi32, #tpu.memory_space<vmem>>, vector<16xi32>,
        %shift_left3A_244 = arith.shli %get3A_243, %broadcast_in_dim3A_2 : vector<16xi32>
        %bitcast3A_245 = vector.bitcast %shift_left3A_244 : vector<16xi32> to vector<16xf32>
        %and3A_246 = arith.andi %get3A_243, %broadcast_in_dim3A_0 : vector<16xi32>
        %bitcast3A_247 = vector.bitcast %and3A_246 : vector<16xi32> to vector<16xf32>
        %swap3A_248 = arith.index_cast %add3A_240 : i32 to index
        %swap3A_249 = arith.constant 0 : index
        %swap3A_250 = tpu.vector_load %arg10[%swap3A_248, %swap3A_249] {strides = array<i32>} : memref<128x64xf32, #tpu.memory_space<vmem>>, vector<16xf32>,
        tpu.vector_store %arg10[%swap3A_248, %swap3A_249], %bitcast3A_245 {strides = array<i32>} : memref<128x64xf32, #tpu.memory_space<vmem>>, vector<16xf32>,
        %swap3A_251 = arith.index_cast %add3A_240 : i32 to index
        %swap3A_252 = arith.constant 16 : index
        %swap3A_253 = tpu.vector_load %arg10[%swap3A_251, %swap3A_252] {strides = array<i32>} : memref<128x64xf32, #tpu.memory_space<vmem>>, vector<16xf32>,
        tpu.vector_store %arg10[%swap3A_251, %swap3A_252], %bitcast3A_247 {strides = array<i32>} : memref<128x64xf32, #tpu.memory_space<vmem>>, vector<16xf32>,
        %get3A_254 = arith.index_cast %add3A_240 : i32 to index
        %get3A_255 = arith.constant 16 : index
        %get3A_256 = tpu.vector_load %arg9[%get3A_254, %get3A_255] {strides = array<i32>} : memref<128x32xi32, #tpu.memory_space<vmem>>, vector<16xi32>,
        %shift_left3A_257 = arith.shli %get3A_256, %broadcast_in_dim3A_2 : vector<16xi32>
        %bitcast3A_258 = vector.bitcast %shift_left3A_257 : vector<16xi32> to vector<16xf32>
        %and3A_259 = arith.andi %get3A_256, %broadcast_in_dim3A_0 : vector<16xi32>
        %bitcast3A_260 = vector.bitcast %and3A_259 : vector<16xi32> to vector<16xf32>
        %swap3A_261 = arith.index_cast %add3A_240 : i32 to index
        %swap3A_262 = arith.constant 32 : index
        %swap3A_263 = tpu.vector_load %arg10[%swap3A_261, %swap3A_262] {strides = array<i32>} : memref<128x64xf32, #tpu.memory_space<vmem>>, vector<16xf32>,
        tpu.vector_store %arg10[%swap3A_261, %swap3A_262], %bitcast3A_258 {strides = array<i32>} : memref<128x64xf32, #tpu.memory_space<vmem>>, vector<16xf32>,
        %swap3A_264 = arith.index_cast %add3A_240 : i32 to index
        %swap3A_265 = arith.constant 48 : index
        %swap3A_266 = tpu.vector_load %arg10[%swap3A_264, %swap3A_265] {strides = array<i32>} : memref<128x64xf32, #tpu.memory_space<vmem>>, vector<16xf32>,
        tpu.vector_store %arg10[%swap3A_264, %swap3A_265], %bitcast3A_260 {strides = array<i32>} : memref<128x64xf32, #tpu.memory_space<vmem>>, vector<16xf32>,
        %scan3A_267 = arith.constant 7 : i32
        %scan3A_268 = arith.addi %scan3A_49, %scan3A_267 : i32
        %mul3A_269 = arith.constant 1 : i32
        %mul3A_270 = arith.muli %scan3A_268, %mul3A_269 : i32
        %add3A_271 = arith.constant 0 : i32
        %add3A_272 = arith.addi %add3A_271, %mul3A_270 : i32
        %get3A_273 = arith.index_cast %add3A_272 : i32 to index
        %get3A_274 = arith.constant 0 : index
        %get3A_275 = tpu.vector_load %arg9[%get3A_273, %get3A_274] {strides = array<i32>} : memref<128x32xi32, #tpu.memory_space<vmem>>, vector<16xi32>,
        %shift_left3A_276 = arith.shli %get3A_275, %broadcast_in_dim3A_2 : vector<16xi32>
        %bitcast3A_277 = vector.bitcast %shift_left3A_276 : vector<16xi32> to vector<16xf32>
        %and3A_278 = arith.andi %get3A_275, %broadcast_in_dim3A_0 : vector<16xi32>
        %bitcast3A_279 = vector.bitcast %and3A_278 : vector<16xi32> to vector<16xf32>
        %swap3A_280 = arith.index_cast %add3A_272 : i32 to index
        %swap3A_281 = arith.constant 0 : index
        %swap3A_282 = tpu.vector_load %arg10[%swap3A_280, %swap3A_281] {strides = array<i32>} : memref<128x64xf32, #tpu.memory_space<vmem>>, vector<16xf32>,
        tpu.vector_store %arg10[%swap3A_280, %swap3A_281], %bitcast3A_277 {strides = array<i32>} : memref<128x64xf32, #tpu.memory_space<vmem>>, vector<16xf32>,
        %swap3A_283 = arith.index_cast %add3A_272 : i32 to index
        %swap3A_284 = arith.constant 16 : index
        %swap3A_285 = tpu.vector_load %arg10[%swap3A_283, %swap3A_284] {strides = array<i32>} : memref<128x64xf32, #tpu.memory_space<vmem>>, vector<16xf32>,
        tpu.vector_store %arg10[%swap3A_283, %swap3A_284], %bitcast3A_279 {strides = array<i32>} : memref<128x64xf32, #tpu.memory_space<vmem>>, vector<16xf32>,
        %get3A_286 = arith.index_cast %add3A_272 : i32 to index
        %get3A_287 = arith.constant 16 : index
        %get3A_288 = tpu.vector_load %arg9[%get3A_286, %get3A_287] {strides = array<i32>} : memref<128x32xi32, #tpu.memory_space<vmem>>, vector<16xi32>,
        %shift_left3A_289 = arith.shli %get3A_288, %broadcast_in_dim3A_2 : vector<16xi32>
        %bitcast3A_290 = vector.bitcast %shift_left3A_289 : vector<16xi32> to vector<16xf32>
        %and3A_291 = arith.andi %get3A_288, %broadcast_in_dim3A_0 : vector<16xi32>
        %bitcast3A_292 = vector.bitcast %and3A_291 : vector<16xi32> to vector<16xf32>
        %swap3A_293 = arith.index_cast %add3A_272 : i32 to index
        %swap3A_294 = arith.constant 32 : index
        %swap3A_295 = tpu.vector_load %arg10[%swap3A_293, %swap3A_294] {strides = array<i32>} : memref<128x64xf32, #tpu.memory_space<vmem>>, vector<16xf32>,
        tpu.vector_store %arg10[%swap3A_293, %swap3A_294], %bitcast3A_290 {strides = array<i32>} : memref<128x64xf32, #tpu.memory_space<vmem>>, vector<16xf32>,
        %swap3A_296 = arith.index_cast %add3A_272 : i32 to index
        %swap3A_297 = arith.constant 48 : index
        %swap3A_298 = tpu.vector_load %arg10[%swap3A_296, %swap3A_297] {strides = array<i32>} : memref<128x64xf32, #tpu.memory_space<vmem>>, vector<16xf32>,
        tpu.vector_store %arg10[%swap3A_296, %swap3A_297], %bitcast3A_292 {strides = array<i32>} : memref<128x64xf32, #tpu.memory_space<vmem>>, vector<16xf32>,
      }
      %scan3A_48 = arith.constant 128 : i32
      "tpu.region"() ({
        %run_scoped3A = tpu.sem_alloc : memref<!tpu.dma_semaphore, #tpu.memory_space<semaphore_mem>>
        %dma_start3A = arith.constant 0 : i32
        %dma_start3A_49 = tpu.memref_slice %arg8[%add3A_43, %dma_start3A] : memref<80x128xi32, #tpu.memory_space<vmem>> -> memref<1x128xi32, #tpu.memory_space<vmem>>
        %dma_start3A_50 = tpu.memref_squeeze %dma_start3A_49 : memref<1x128xi32, #tpu.memory_space<vmem>> -> memref<128xi32, #tpu.memory_space<vmem>>
        %dma_start3A_51 = arith.constant 0 : i32
        %dma_start3A_52 = arith.constant 0 : i32
        %dma_start3A_53 = tpu.memref_slice %arg11[%dma_start3A_51, %dma_start3A_52] : memref<10496x64xf32, #tpu.memory_space<vmem_shared>> -> memref<10496x64xf32, #tpu.memory_space<vmem_shared>>
        tpu.enqueue_indirect_dma source(%arg10 : memref<128x64xf32, #tpu.memory_space<vmem>>) target(%dma_start3A_53 : memref<10496x64xf32, #tpu.memory_space<vmem_shared>>) offsets(%dma_start3A_50 : memref<128xi32, #tpu.memory_space<vmem>>) semaphore(%run_scoped3A : memref<!tpu.dma_semaphore, #tpu.memory_space<semaphore_mem>>) {add = true}
        %dma_wait3A = arith.constant 0 : i32
        %dma_wait3A_54 = tpu.memref_slice %arg8[%add3A_43, %dma_wait3A] : memref<80x128xi32, #tpu.memory_space<vmem>> -> memref<1x128xi32, #tpu.memory_space<vmem>>
        %dma_wait3A_55 = tpu.memref_squeeze %dma_wait3A_54 : memref<1x128xi32, #tpu.memory_space<vmem>> -> memref<128xi32, #tpu.memory_space<vmem>>
        %dma_wait3A_56 = arith.constant 0 : i32
        %dma_wait3A_57 = arith.constant 0 : i32
        %dma_wait3A_58 = tpu.memref_slice %arg11[%dma_wait3A_56, %dma_wait3A_57] : memref<10496x64xf32, #tpu.memory_space<vmem_shared>> -> memref<10496x64xf32, #tpu.memory_space<vmem_shared>>
        tpu.wait_indirect_dma semaphore(%run_scoped3A : memref<!tpu.dma_semaphore, #tpu.memory_space<semaphore_mem>>) src(%arg10 : memref<128x64xf32, #tpu.memory_space<vmem>>) dst(%dma_wait3A_58 : memref<10496x64xf32, #tpu.memory_space<vmem_shared>>)
        tpu.yield
      }) : () -> ()
    }
    %scan3A_12 = arith.constant 80 : i32
    %barrier3A_13 = arith.constant 0 : index
    tpu.barrier barrier_id(%barrier3A_13)
    %mul3A_14 = arith.constant 656 : i32
    %mul3A_15 = arith.muli %arg1, %mul3A_14 : i32
    %mul3A_16 = arith.constant 656 : i32
    %mul3A_17 = arith.muli %arg1, %mul3A_16 : i32
    "tpu.region"() ({
      %run_scoped3A = tpu.sem_alloc : memref<!tpu.dma_semaphore, #tpu.memory_space<semaphore_mem>>
      %dma_start3A = arith.constant 0 : i32
      %dma_start3A_39 = tpu.memref_slice %arg6[%add3A_4, %mul3A_17, %dma_start3A] : memref<4x10496x64xf32, #tpu.memory_space<hbm>> -> memref<1x656x64xf32, #tpu.memory_space<hbm>>
      %dma_start3A_40 = tpu.memref_squeeze %dma_start3A_39 : memref<1x656x64xf32, #tpu.memory_space<hbm>> -> memref<656x64xf32, #tpu.memory_space<hbm>>
      %dma_start3A_41 = arith.constant 0 : i32
      %dma_start3A_42 = tpu.memref_slice %arg11[%mul3A_15, %dma_start3A_41] : memref<10496x64xf32, #tpu.memory_space<vmem_shared>> -> memref<656x64xf32, #tpu.memory_space<vmem_shared>>
      tpu.enqueue_dma source(%dma_start3A_42 : memref<656x64xf32, #tpu.memory_space<vmem_shared>>) target(%dma_start3A_40 : memref<656x64xf32, #tpu.memory_space<hbm>>) target_semaphore(%run_scoped3A : memref<!tpu.dma_semaphore, #tpu.memory_space<semaphore_mem>>)
      %dma_wait3A = arith.constant 0 : i32
      %dma_wait3A_43 = tpu.memref_slice %arg6[%add3A_4, %mul3A_17, %dma_wait3A] : memref<4x10496x64xf32, #tpu.memory_space<hbm>> -> memref<1x656x64xf32, #tpu.memory_space<hbm>>
      %dma_wait3A_44 = tpu.memref_squeeze %dma_wait3A_43 : memref<1x656x64xf32, #tpu.memory_space<hbm>> -> memref<656x64xf32, #tpu.memory_space<hbm>>
      %dma_wait3A_45 = arith.constant 0 : i32
      %dma_wait3A_46 = tpu.memref_slice %arg11[%mul3A_15, %dma_wait3A_45] : memref<10496x64xf32, #tpu.memory_space<vmem_shared>> -> memref<656x64xf32, #tpu.memory_space<vmem_shared>>
      tpu.wait_dma2 semaphore(%run_scoped3A : memref<!tpu.dma_semaphore, #tpu.memory_space<semaphore_mem>>) src(%dma_wait3A_46 : memref<656x64xf32, #tpu.memory_space<vmem_shared>>) dst(%dma_wait3A_44 : memref<656x64xf32, #tpu.memory_space<hbm>>)
      tpu.yield
    }) : () -> ()
    %barrier3A_18 = arith.constant 0 : index
    tpu.barrier barrier_id(%barrier3A_18)
    %mul3A_19 = arith.constant 2 : i32
    %mul3A_20 = arith.muli %mul3A_19, %arg0 : i32
    %add3A_21 = arith.constant 1 : i32
    %add3A_22 = arith.addi %mul3A_20, %add3A_21 : i32
    %mul3A_23 = arith.constant 656 : i32
    %mul3A_24 = arith.muli %arg1, %mul3A_23 : i32
    %mul3A_25 = arith.constant 656 : i32
    %mul3A_26 = arith.muli %arg1, %mul3A_25 : i32
    "tpu.region"() ({
      %run_scoped3A = tpu.sem_alloc : memref<!tpu.dma_semaphore, #tpu.memory_space<semaphore_mem>>
      %dma_start3A = arith.constant 0 : i32
      %dma_start3A_39 = tpu.memref_slice %arg11[%mul3A_26, %dma_start3A] : memref<10496x64xf32, #tpu.memory_space<vmem_shared>> -> memref<656x64xf32, #tpu.memory_space<vmem_shared>>
      %dma_start3A_40 = arith.constant 0 : i32
      %dma_start3A_41 = tpu.memref_slice %arg2[%add3A_22, %mul3A_24, %dma_start3A_40] : memref<4x10496x64xf32, #tpu.memory_space<hbm>> -> memref<1x656x64xf32, #tpu.memory_space<hbm>>
      %dma_start3A_42 = tpu.memref_squeeze %dma_start3A_41 : memref<1x656x64xf32, #tpu.memory_space<hbm>> -> memref<656x64xf32, #tpu.memory_space<hbm>>
      tpu.enqueue_dma source(%dma_start3A_42 : memref<656x64xf32, #tpu.memory_space<hbm>>) target(%dma_start3A_39 : memref<656x64xf32, #tpu.memory_space<vmem_shared>>) target_semaphore(%run_scoped3A : memref<!tpu.dma_semaphore, #tpu.memory_space<semaphore_mem>>)
      %dma_wait3A = arith.constant 0 : i32
      %dma_wait3A_43 = tpu.memref_slice %arg11[%mul3A_26, %dma_wait3A] : memref<10496x64xf32, #tpu.memory_space<vmem_shared>> -> memref<656x64xf32, #tpu.memory_space<vmem_shared>>
      %dma_wait3A_44 = arith.constant 0 : i32
      %dma_wait3A_45 = tpu.memref_slice %arg2[%add3A_22, %mul3A_24, %dma_wait3A_44] : memref<4x10496x64xf32, #tpu.memory_space<hbm>> -> memref<1x656x64xf32, #tpu.memory_space<hbm>>
      %dma_wait3A_46 = tpu.memref_squeeze %dma_wait3A_45 : memref<1x656x64xf32, #tpu.memory_space<hbm>> -> memref<656x64xf32, #tpu.memory_space<hbm>>
      tpu.wait_dma2 semaphore(%run_scoped3A : memref<!tpu.dma_semaphore, #tpu.memory_space<semaphore_mem>>) src(%dma_wait3A_46 : memref<656x64xf32, #tpu.memory_space<hbm>>) dst(%dma_wait3A_43 : memref<656x64xf32, #tpu.memory_space<vmem_shared>>)
      tpu.yield
    }) : () -> ()
    %barrier3A_27 = arith.constant 0 : index
    tpu.barrier barrier_id(%barrier3A_27)
    %scan3A_28 = arith.constant 0 : i32
    %scan3A_29 = arith.constant 80 : i32
    %scan3A_30 = arith.addi %scan3A_28, %scan3A_29 : i32
    %scan3A_31 = arith.constant 1 : i32
    scf.for %scan3A_39 = %scan3A_28 to %scan3A_30 step %scan3A_31  : i32 {
      %mul3A_40 = arith.constant 1 : i32
      %mul3A_41 = arith.muli %scan3A_39, %mul3A_40 : i32
      %add3A_42 = arith.constant 0 : i32
      %add3A_43 = arith.addi %add3A_42, %mul3A_41 : i32
      "tpu.region"() ({
        %run_scoped3A = tpu.sem_alloc : memref<!tpu.dma_semaphore, #tpu.memory_space<semaphore_mem>>
        %dma_start3A = arith.constant 0 : i32
        %dma_start3A_49 = tpu.memref_slice %arg7[%add3A_43, %dma_start3A] : memref<80x128xi32, #tpu.memory_space<vmem>> -> memref<1x128xi32, #tpu.memory_space<vmem>>
        %dma_start3A_50 = tpu.memref_squeeze %dma_start3A_49 : memref<1x128xi32, #tpu.memory_space<vmem>> -> memref<128xi32, #tpu.memory_space<vmem>>
        %dma_start3A_51 = arith.constant 0 : i32
        %dma_start3A_52 = arith.constant 0 : i32
        %dma_start3A_53 = tpu.memref_slice %arg3[%add3A_22, %dma_start3A_51, %dma_start3A_52] : memref<4x10496x32xi32, #tpu.memory_space<hbm>> -> memref<1x10496x32xi32, #tpu.memory_space<hbm>>
        %dma_start3A_54 = tpu.memref_squeeze %dma_start3A_53 : memref<1x10496x32xi32, #tpu.memory_space<hbm>> -> memref<10496x32xi32, #tpu.memory_space<hbm>>
        %dma_start3A_55 = arith.constant 0 : i32
        %dma_start3A_56 = arith.constant 0 : i32
        %dma_start3A_57 = tpu.memref_slice %dma_start3A_54[%dma_start3A_55, %dma_start3A_56] : memref<10496x32xi32, #tpu.memory_space<hbm>> -> memref<10496x32xi32, #tpu.memory_space<hbm>>
        tpu.enqueue_indirect_dma source(%dma_start3A_57 : memref<10496x32xi32, #tpu.memory_space<hbm>>) target(%arg9 : memref<128x32xi32, #tpu.memory_space<vmem>>) offsets(%dma_start3A_50 : memref<128xi32, #tpu.memory_space<vmem>>) semaphore(%run_scoped3A : memref<!tpu.dma_semaphore, #tpu.memory_space<semaphore_mem>>)
        %dma_wait3A = arith.constant 0 : i32
        %dma_wait3A_58 = tpu.memref_slice %arg7[%add3A_43, %dma_wait3A] : memref<80x128xi32, #tpu.memory_space<vmem>> -> memref<1x128xi32, #tpu.memory_space<vmem>>
        %dma_wait3A_59 = tpu.memref_squeeze %dma_wait3A_58 : memref<1x128xi32, #tpu.memory_space<vmem>> -> memref<128xi32, #tpu.memory_space<vmem>>
        %dma_wait3A_60 = arith.constant 0 : i32
        %dma_wait3A_61 = arith.constant 0 : i32
        %dma_wait3A_62 = tpu.memref_slice %arg3[%add3A_22, %dma_wait3A_60, %dma_wait3A_61] : memref<4x10496x32xi32, #tpu.memory_space<hbm>> -> memref<1x10496x32xi32, #tpu.memory_space<hbm>>
        %dma_wait3A_63 = tpu.memref_squeeze %dma_wait3A_62 : memref<1x10496x32xi32, #tpu.memory_space<hbm>> -> memref<10496x32xi32, #tpu.memory_space<hbm>>
        %dma_wait3A_64 = arith.constant 0 : i32
        %dma_wait3A_65 = arith.constant 0 : i32
        %dma_wait3A_66 = tpu.memref_slice %dma_wait3A_63[%dma_wait3A_64, %dma_wait3A_65] : memref<10496x32xi32, #tpu.memory_space<hbm>> -> memref<10496x32xi32, #tpu.memory_space<hbm>>
        tpu.wait_indirect_dma semaphore(%run_scoped3A : memref<!tpu.dma_semaphore, #tpu.memory_space<semaphore_mem>>) src(%dma_wait3A_66 : memref<10496x32xi32, #tpu.memory_space<hbm>>) dst(%arg9 : memref<128x32xi32, #tpu.memory_space<vmem>>)
        tpu.yield
      }) : () -> ()
      %scan3A_44 = arith.constant 0 : i32
      %scan3A_45 = arith.constant 128 : i32
      %scan3A_46 = arith.addi %scan3A_44, %scan3A_45 : i32
      %scan3A_47 = arith.constant 8 : i32
      scf.for %scan3A_49 = %scan3A_44 to %scan3A_46 step %scan3A_47  : i32 {
        %mul3A_50 = arith.constant 1 : i32
        %mul3A_51 = arith.muli %scan3A_49, %mul3A_50 : i32
        %add3A_52 = arith.constant 0 : i32
        %add3A_53 = arith.addi %add3A_52, %mul3A_51 : i32
        %get3A = arith.index_cast %add3A_53 : i32 to index
        %get3A_54 = arith.constant 0 : index
        %get3A_55 = tpu.vector_load %arg9[%get3A, %get3A_54] {strides = array<i32>} : memref<128x32xi32, #tpu.memory_space<vmem>>, vector<16xi32>,
        %shift_left3A = arith.shli %get3A_55, %broadcast_in_dim3A_2 : vector<16xi32>
        %bitcast3A = vector.bitcast %shift_left3A : vector<16xi32> to vector<16xf32>
        %and3A = arith.andi %get3A_55, %broadcast_in_dim3A_0 : vector<16xi32>
        %bitcast3A_56 = vector.bitcast %and3A : vector<16xi32> to vector<16xf32>
        %swap3A = arith.index_cast %add3A_53 : i32 to index
        %swap3A_57 = arith.constant 0 : index
        %swap3A_58 = tpu.vector_load %arg10[%swap3A, %swap3A_57] {strides = array<i32>} : memref<128x64xf32, #tpu.memory_space<vmem>>, vector<16xf32>,
        tpu.vector_store %arg10[%swap3A, %swap3A_57], %bitcast3A {strides = array<i32>} : memref<128x64xf32, #tpu.memory_space<vmem>>, vector<16xf32>,
        %swap3A_59 = arith.index_cast %add3A_53 : i32 to index
        %swap3A_60 = arith.constant 16 : index
        %swap3A_61 = tpu.vector_load %arg10[%swap3A_59, %swap3A_60] {strides = array<i32>} : memref<128x64xf32, #tpu.memory_space<vmem>>, vector<16xf32>,
        tpu.vector_store %arg10[%swap3A_59, %swap3A_60], %bitcast3A_56 {strides = array<i32>} : memref<128x64xf32, #tpu.memory_space<vmem>>, vector<16xf32>,
        %get3A_62 = arith.index_cast %add3A_53 : i32 to index
        %get3A_63 = arith.constant 16 : index
        %get3A_64 = tpu.vector_load %arg9[%get3A_62, %get3A_63] {strides = array<i32>} : memref<128x32xi32, #tpu.memory_space<vmem>>, vector<16xi32>,
        %shift_left3A_65 = arith.shli %get3A_64, %broadcast_in_dim3A_2 : vector<16xi32>
        %bitcast3A_66 = vector.bitcast %shift_left3A_65 : vector<16xi32> to vector<16xf32>
        %and3A_67 = arith.andi %get3A_64, %broadcast_in_dim3A_0 : vector<16xi32>
        %bitcast3A_68 = vector.bitcast %and3A_67 : vector<16xi32> to vector<16xf32>
        %swap3A_69 = arith.index_cast %add3A_53 : i32 to index
        %swap3A_70 = arith.constant 32 : index
        %swap3A_71 = tpu.vector_load %arg10[%swap3A_69, %swap3A_70] {strides = array<i32>} : memref<128x64xf32, #tpu.memory_space<vmem>>, vector<16xf32>,
        tpu.vector_store %arg10[%swap3A_69, %swap3A_70], %bitcast3A_66 {strides = array<i32>} : memref<128x64xf32, #tpu.memory_space<vmem>>, vector<16xf32>,
        %swap3A_72 = arith.index_cast %add3A_53 : i32 to index
        %swap3A_73 = arith.constant 48 : index
        %swap3A_74 = tpu.vector_load %arg10[%swap3A_72, %swap3A_73] {strides = array<i32>} : memref<128x64xf32, #tpu.memory_space<vmem>>, vector<16xf32>,
        tpu.vector_store %arg10[%swap3A_72, %swap3A_73], %bitcast3A_68 {strides = array<i32>} : memref<128x64xf32, #tpu.memory_space<vmem>>, vector<16xf32>,
        %scan3A_75 = arith.constant 1 : i32
        %scan3A_76 = arith.addi %scan3A_49, %scan3A_75 : i32
        %mul3A_77 = arith.constant 1 : i32
        %mul3A_78 = arith.muli %scan3A_76, %mul3A_77 : i32
        %add3A_79 = arith.constant 0 : i32
        %add3A_80 = arith.addi %add3A_79, %mul3A_78 : i32
        %get3A_81 = arith.index_cast %add3A_80 : i32 to index
        %get3A_82 = arith.constant 0 : index
        %get3A_83 = tpu.vector_load %arg9[%get3A_81, %get3A_82] {strides = array<i32>} : memref<128x32xi32, #tpu.memory_space<vmem>>, vector<16xi32>,
        %shift_left3A_84 = arith.shli %get3A_83, %broadcast_in_dim3A_2 : vector<16xi32>
        %bitcast3A_85 = vector.bitcast %shift_left3A_84 : vector<16xi32> to vector<16xf32>
        %and3A_86 = arith.andi %get3A_83, %broadcast_in_dim3A_0 : vector<16xi32>
        %bitcast3A_87 = vector.bitcast %and3A_86 : vector<16xi32> to vector<16xf32>
        %swap3A_88 = arith.index_cast %add3A_80 : i32 to index
        %swap3A_89 = arith.constant 0 : index
        %swap3A_90 = tpu.vector_load %arg10[%swap3A_88, %swap3A_89] {strides = array<i32>} : memref<128x64xf32, #tpu.memory_space<vmem>>, vector<16xf32>,
        tpu.vector_store %arg10[%swap3A_88, %swap3A_89], %bitcast3A_85 {strides = array<i32>} : memref<128x64xf32, #tpu.memory_space<vmem>>, vector<16xf32>,
        %swap3A_91 = arith.index_cast %add3A_80 : i32 to index
        %swap3A_92 = arith.constant 16 : index
        %swap3A_93 = tpu.vector_load %arg10[%swap3A_91, %swap3A_92] {strides = array<i32>} : memref<128x64xf32, #tpu.memory_space<vmem>>, vector<16xf32>,
        tpu.vector_store %arg10[%swap3A_91, %swap3A_92], %bitcast3A_87 {strides = array<i32>} : memref<128x64xf32, #tpu.memory_space<vmem>>, vector<16xf32>,
        %get3A_94 = arith.index_cast %add3A_80 : i32 to index
        %get3A_95 = arith.constant 16 : index
        %get3A_96 = tpu.vector_load %arg9[%get3A_94, %get3A_95] {strides = array<i32>} : memref<128x32xi32, #tpu.memory_space<vmem>>, vector<16xi32>,
        %shift_left3A_97 = arith.shli %get3A_96, %broadcast_in_dim3A_2 : vector<16xi32>
        %bitcast3A_98 = vector.bitcast %shift_left3A_97 : vector<16xi32> to vector<16xf32>
        %and3A_99 = arith.andi %get3A_96, %broadcast_in_dim3A_0 : vector<16xi32>
        %bitcast3A_100 = vector.bitcast %and3A_99 : vector<16xi32> to vector<16xf32>
        %swap3A_101 = arith.index_cast %add3A_80 : i32 to index
        %swap3A_102 = arith.constant 32 : index
        %swap3A_103 = tpu.vector_load %arg10[%swap3A_101, %swap3A_102] {strides = array<i32>} : memref<128x64xf32, #tpu.memory_space<vmem>>, vector<16xf32>,
        tpu.vector_store %arg10[%swap3A_101, %swap3A_102], %bitcast3A_98 {strides = array<i32>} : memref<128x64xf32, #tpu.memory_space<vmem>>, vector<16xf32>,
        %swap3A_104 = arith.index_cast %add3A_80 : i32 to index
        %swap3A_105 = arith.constant 48 : index
        %swap3A_106 = tpu.vector_load %arg10[%swap3A_104, %swap3A_105] {strides = array<i32>} : memref<128x64xf32, #tpu.memory_space<vmem>>, vector<16xf32>,
        tpu.vector_store %arg10[%swap3A_104, %swap3A_105], %bitcast3A_100 {strides = array<i32>} : memref<128x64xf32, #tpu.memory_space<vmem>>, vector<16xf32>,
        %scan3A_107 = arith.constant 2 : i32
        %scan3A_108 = arith.addi %scan3A_49, %scan3A_107 : i32
        %mul3A_109 = arith.constant 1 : i32
        %mul3A_110 = arith.muli %scan3A_108, %mul3A_109 : i32
        %add3A_111 = arith.constant 0 : i32
        %add3A_112 = arith.addi %add3A_111, %mul3A_110 : i32
        %get3A_113 = arith.index_cast %add3A_112 : i32 to index
        %get3A_114 = arith.constant 0 : index
        %get3A_115 = tpu.vector_load %arg9[%get3A_113, %get3A_114] {strides = array<i32>} : memref<128x32xi32, #tpu.memory_space<vmem>>, vector<16xi32>,
        %shift_left3A_116 = arith.shli %get3A_115, %broadcast_in_dim3A_2 : vector<16xi32>
        %bitcast3A_117 = vector.bitcast %shift_left3A_116 : vector<16xi32> to vector<16xf32>
        %and3A_118 = arith.andi %get3A_115, %broadcast_in_dim3A_0 : vector<16xi32>
        %bitcast3A_119 = vector.bitcast %and3A_118 : vector<16xi32> to vector<16xf32>
        %swap3A_120 = arith.index_cast %add3A_112 : i32 to index
        %swap3A_121 = arith.constant 0 : index
        %swap3A_122 = tpu.vector_load %arg10[%swap3A_120, %swap3A_121] {strides = array<i32>} : memref<128x64xf32, #tpu.memory_space<vmem>>, vector<16xf32>,
        tpu.vector_store %arg10[%swap3A_120, %swap3A_121], %bitcast3A_117 {strides = array<i32>} : memref<128x64xf32, #tpu.memory_space<vmem>>, vector<16xf32>,
        %swap3A_123 = arith.index_cast %add3A_112 : i32 to index
        %swap3A_124 = arith.constant 16 : index
        %swap3A_125 = tpu.vector_load %arg10[%swap3A_123, %swap3A_124] {strides = array<i32>} : memref<128x64xf32, #tpu.memory_space<vmem>>, vector<16xf32>,
        tpu.vector_store %arg10[%swap3A_123, %swap3A_124], %bitcast3A_119 {strides = array<i32>} : memref<128x64xf32, #tpu.memory_space<vmem>>, vector<16xf32>,
        %get3A_126 = arith.index_cast %add3A_112 : i32 to index
        %get3A_127 = arith.constant 16 : index
        %get3A_128 = tpu.vector_load %arg9[%get3A_126, %get3A_127] {strides = array<i32>} : memref<128x32xi32, #tpu.memory_space<vmem>>, vector<16xi32>,
        %shift_left3A_129 = arith.shli %get3A_128, %broadcast_in_dim3A_2 : vector<16xi32>
        %bitcast3A_130 = vector.bitcast %shift_left3A_129 : vector<16xi32> to vector<16xf32>
        %and3A_131 = arith.andi %get3A_128, %broadcast_in_dim3A_0 : vector<16xi32>
        %bitcast3A_132 = vector.bitcast %and3A_131 : vector<16xi32> to vector<16xf32>
        %swap3A_133 = arith.index_cast %add3A_112 : i32 to index
        %swap3A_134 = arith.constant 32 : index
        %swap3A_135 = tpu.vector_load %arg10[%swap3A_133, %swap3A_134] {strides = array<i32>} : memref<128x64xf32, #tpu.memory_space<vmem>>, vector<16xf32>,
        tpu.vector_store %arg10[%swap3A_133, %swap3A_134], %bitcast3A_130 {strides = array<i32>} : memref<128x64xf32, #tpu.memory_space<vmem>>, vector<16xf32>,
        %swap3A_136 = arith.index_cast %add3A_112 : i32 to index
        %swap3A_137 = arith.constant 48 : index
        %swap3A_138 = tpu.vector_load %arg10[%swap3A_136, %swap3A_137] {strides = array<i32>} : memref<128x64xf32, #tpu.memory_space<vmem>>, vector<16xf32>,
        tpu.vector_store %arg10[%swap3A_136, %swap3A_137], %bitcast3A_132 {strides = array<i32>} : memref<128x64xf32, #tpu.memory_space<vmem>>, vector<16xf32>,
        %scan3A_139 = arith.constant 3 : i32
        %scan3A_140 = arith.addi %scan3A_49, %scan3A_139 : i32
        %mul3A_141 = arith.constant 1 : i32
        %mul3A_142 = arith.muli %scan3A_140, %mul3A_141 : i32
        %add3A_143 = arith.constant 0 : i32
        %add3A_144 = arith.addi %add3A_143, %mul3A_142 : i32
        %get3A_145 = arith.index_cast %add3A_144 : i32 to index
        %get3A_146 = arith.constant 0 : index
        %get3A_147 = tpu.vector_load %arg9[%get3A_145, %get3A_146] {strides = array<i32>} : memref<128x32xi32, #tpu.memory_space<vmem>>, vector<16xi32>,
        %shift_left3A_148 = arith.shli %get3A_147, %broadcast_in_dim3A_2 : vector<16xi32>
        %bitcast3A_149 = vector.bitcast %shift_left3A_148 : vector<16xi32> to vector<16xf32>
        %and3A_150 = arith.andi %get3A_147, %broadcast_in_dim3A_0 : vector<16xi32>
        %bitcast3A_151 = vector.bitcast %and3A_150 : vector<16xi32> to vector<16xf32>
        %swap3A_152 = arith.index_cast %add3A_144 : i32 to index
        %swap3A_153 = arith.constant 0 : index
        %swap3A_154 = tpu.vector_load %arg10[%swap3A_152, %swap3A_153] {strides = array<i32>} : memref<128x64xf32, #tpu.memory_space<vmem>>, vector<16xf32>,
        tpu.vector_store %arg10[%swap3A_152, %swap3A_153], %bitcast3A_149 {strides = array<i32>} : memref<128x64xf32, #tpu.memory_space<vmem>>, vector<16xf32>,
        %swap3A_155 = arith.index_cast %add3A_144 : i32 to index
        %swap3A_156 = arith.constant 16 : index
        %swap3A_157 = tpu.vector_load %arg10[%swap3A_155, %swap3A_156] {strides = array<i32>} : memref<128x64xf32, #tpu.memory_space<vmem>>, vector<16xf32>,
        tpu.vector_store %arg10[%swap3A_155, %swap3A_156], %bitcast3A_151 {strides = array<i32>} : memref<128x64xf32, #tpu.memory_space<vmem>>, vector<16xf32>,
        %get3A_158 = arith.index_cast %add3A_144 : i32 to index
        %get3A_159 = arith.constant 16 : index
        %get3A_160 = tpu.vector_load %arg9[%get3A_158, %get3A_159] {strides = array<i32>} : memref<128x32xi32, #tpu.memory_space<vmem>>, vector<16xi32>,
        %shift_left3A_161 = arith.shli %get3A_160, %broadcast_in_dim3A_2 : vector<16xi32>
        %bitcast3A_162 = vector.bitcast %shift_left3A_161 : vector<16xi32> to vector<16xf32>
        %and3A_163 = arith.andi %get3A_160, %broadcast_in_dim3A_0 : vector<16xi32>
        %bitcast3A_164 = vector.bitcast %and3A_163 : vector<16xi32> to vector<16xf32>
        %swap3A_165 = arith.index_cast %add3A_144 : i32 to index
        %swap3A_166 = arith.constant 32 : index
        %swap3A_167 = tpu.vector_load %arg10[%swap3A_165, %swap3A_166] {strides = array<i32>} : memref<128x64xf32, #tpu.memory_space<vmem>>, vector<16xf32>,
        tpu.vector_store %arg10[%swap3A_165, %swap3A_166], %bitcast3A_162 {strides = array<i32>} : memref<128x64xf32, #tpu.memory_space<vmem>>, vector<16xf32>,
        %swap3A_168 = arith.index_cast %add3A_144 : i32 to index
        %swap3A_169 = arith.constant 48 : index
        %swap3A_170 = tpu.vector_load %arg10[%swap3A_168, %swap3A_169] {strides = array<i32>} : memref<128x64xf32, #tpu.memory_space<vmem>>, vector<16xf32>,
        tpu.vector_store %arg10[%swap3A_168, %swap3A_169], %bitcast3A_164 {strides = array<i32>} : memref<128x64xf32, #tpu.memory_space<vmem>>, vector<16xf32>,
        %scan3A_171 = arith.constant 4 : i32
        %scan3A_172 = arith.addi %scan3A_49, %scan3A_171 : i32
        %mul3A_173 = arith.constant 1 : i32
        %mul3A_174 = arith.muli %scan3A_172, %mul3A_173 : i32
        %add3A_175 = arith.constant 0 : i32
        %add3A_176 = arith.addi %add3A_175, %mul3A_174 : i32
        %get3A_177 = arith.index_cast %add3A_176 : i32 to index
        %get3A_178 = arith.constant 0 : index
        %get3A_179 = tpu.vector_load %arg9[%get3A_177, %get3A_178] {strides = array<i32>} : memref<128x32xi32, #tpu.memory_space<vmem>>, vector<16xi32>,
        %shift_left3A_180 = arith.shli %get3A_179, %broadcast_in_dim3A_2 : vector<16xi32>
        %bitcast3A_181 = vector.bitcast %shift_left3A_180 : vector<16xi32> to vector<16xf32>
        %and3A_182 = arith.andi %get3A_179, %broadcast_in_dim3A_0 : vector<16xi32>
        %bitcast3A_183 = vector.bitcast %and3A_182 : vector<16xi32> to vector<16xf32>
        %swap3A_184 = arith.index_cast %add3A_176 : i32 to index
        %swap3A_185 = arith.constant 0 : index
        %swap3A_186 = tpu.vector_load %arg10[%swap3A_184, %swap3A_185] {strides = array<i32>} : memref<128x64xf32, #tpu.memory_space<vmem>>, vector<16xf32>,
        tpu.vector_store %arg10[%swap3A_184, %swap3A_185], %bitcast3A_181 {strides = array<i32>} : memref<128x64xf32, #tpu.memory_space<vmem>>, vector<16xf32>,
        %swap3A_187 = arith.index_cast %add3A_176 : i32 to index
        %swap3A_188 = arith.constant 16 : index
        %swap3A_189 = tpu.vector_load %arg10[%swap3A_187, %swap3A_188] {strides = array<i32>} : memref<128x64xf32, #tpu.memory_space<vmem>>, vector<16xf32>,
        tpu.vector_store %arg10[%swap3A_187, %swap3A_188], %bitcast3A_183 {strides = array<i32>} : memref<128x64xf32, #tpu.memory_space<vmem>>, vector<16xf32>,
        %get3A_190 = arith.index_cast %add3A_176 : i32 to index
        %get3A_191 = arith.constant 16 : index
        %get3A_192 = tpu.vector_load %arg9[%get3A_190, %get3A_191] {strides = array<i32>} : memref<128x32xi32, #tpu.memory_space<vmem>>, vector<16xi32>,
        %shift_left3A_193 = arith.shli %get3A_192, %broadcast_in_dim3A_2 : vector<16xi32>
        %bitcast3A_194 = vector.bitcast %shift_left3A_193 : vector<16xi32> to vector<16xf32>
        %and3A_195 = arith.andi %get3A_192, %broadcast_in_dim3A_0 : vector<16xi32>
        %bitcast3A_196 = vector.bitcast %and3A_195 : vector<16xi32> to vector<16xf32>
        %swap3A_197 = arith.index_cast %add3A_176 : i32 to index
        %swap3A_198 = arith.constant 32 : index
        %swap3A_199 = tpu.vector_load %arg10[%swap3A_197, %swap3A_198] {strides = array<i32>} : memref<128x64xf32, #tpu.memory_space<vmem>>, vector<16xf32>,
        tpu.vector_store %arg10[%swap3A_197, %swap3A_198], %bitcast3A_194 {strides = array<i32>} : memref<128x64xf32, #tpu.memory_space<vmem>>, vector<16xf32>,
        %swap3A_200 = arith.index_cast %add3A_176 : i32 to index
        %swap3A_201 = arith.constant 48 : index
        %swap3A_202 = tpu.vector_load %arg10[%swap3A_200, %swap3A_201] {strides = array<i32>} : memref<128x64xf32, #tpu.memory_space<vmem>>, vector<16xf32>,
        tpu.vector_store %arg10[%swap3A_200, %swap3A_201], %bitcast3A_196 {strides = array<i32>} : memref<128x64xf32, #tpu.memory_space<vmem>>, vector<16xf32>,
        %scan3A_203 = arith.constant 5 : i32
        %scan3A_204 = arith.addi %scan3A_49, %scan3A_203 : i32
        %mul3A_205 = arith.constant 1 : i32
        %mul3A_206 = arith.muli %scan3A_204, %mul3A_205 : i32
        %add3A_207 = arith.constant 0 : i32
        %add3A_208 = arith.addi %add3A_207, %mul3A_206 : i32
        %get3A_209 = arith.index_cast %add3A_208 : i32 to index
        %get3A_210 = arith.constant 0 : index
        %get3A_211 = tpu.vector_load %arg9[%get3A_209, %get3A_210] {strides = array<i32>} : memref<128x32xi32, #tpu.memory_space<vmem>>, vector<16xi32>,
        %shift_left3A_212 = arith.shli %get3A_211, %broadcast_in_dim3A_2 : vector<16xi32>
        %bitcast3A_213 = vector.bitcast %shift_left3A_212 : vector<16xi32> to vector<16xf32>
        %and3A_214 = arith.andi %get3A_211, %broadcast_in_dim3A_0 : vector<16xi32>
        %bitcast3A_215 = vector.bitcast %and3A_214 : vector<16xi32> to vector<16xf32>
        %swap3A_216 = arith.index_cast %add3A_208 : i32 to index
        %swap3A_217 = arith.constant 0 : index
        %swap3A_218 = tpu.vector_load %arg10[%swap3A_216, %swap3A_217] {strides = array<i32>} : memref<128x64xf32, #tpu.memory_space<vmem>>, vector<16xf32>,
        tpu.vector_store %arg10[%swap3A_216, %swap3A_217], %bitcast3A_213 {strides = array<i32>} : memref<128x64xf32, #tpu.memory_space<vmem>>, vector<16xf32>,
        %swap3A_219 = arith.index_cast %add3A_208 : i32 to index
        %swap3A_220 = arith.constant 16 : index
        %swap3A_221 = tpu.vector_load %arg10[%swap3A_219, %swap3A_220] {strides = array<i32>} : memref<128x64xf32, #tpu.memory_space<vmem>>, vector<16xf32>,
        tpu.vector_store %arg10[%swap3A_219, %swap3A_220], %bitcast3A_215 {strides = array<i32>} : memref<128x64xf32, #tpu.memory_space<vmem>>, vector<16xf32>,
        %get3A_222 = arith.index_cast %add3A_208 : i32 to index
        %get3A_223 = arith.constant 16 : index
        %get3A_224 = tpu.vector_load %arg9[%get3A_222, %get3A_223] {strides = array<i32>} : memref<128x32xi32, #tpu.memory_space<vmem>>, vector<16xi32>,
        %shift_left3A_225 = arith.shli %get3A_224, %broadcast_in_dim3A_2 : vector<16xi32>
        %bitcast3A_226 = vector.bitcast %shift_left3A_225 : vector<16xi32> to vector<16xf32>
        %and3A_227 = arith.andi %get3A_224, %broadcast_in_dim3A_0 : vector<16xi32>
        %bitcast3A_228 = vector.bitcast %and3A_227 : vector<16xi32> to vector<16xf32>
        %swap3A_229 = arith.index_cast %add3A_208 : i32 to index
        %swap3A_230 = arith.constant 32 : index
        %swap3A_231 = tpu.vector_load %arg10[%swap3A_229, %swap3A_230] {strides = array<i32>} : memref<128x64xf32, #tpu.memory_space<vmem>>, vector<16xf32>,
        tpu.vector_store %arg10[%swap3A_229, %swap3A_230], %bitcast3A_226 {strides = array<i32>} : memref<128x64xf32, #tpu.memory_space<vmem>>, vector<16xf32>,
        %swap3A_232 = arith.index_cast %add3A_208 : i32 to index
        %swap3A_233 = arith.constant 48 : index
        %swap3A_234 = tpu.vector_load %arg10[%swap3A_232, %swap3A_233] {strides = array<i32>} : memref<128x64xf32, #tpu.memory_space<vmem>>, vector<16xf32>,
        tpu.vector_store %arg10[%swap3A_232, %swap3A_233], %bitcast3A_228 {strides = array<i32>} : memref<128x64xf32, #tpu.memory_space<vmem>>, vector<16xf32>,
        %scan3A_235 = arith.constant 6 : i32
        %scan3A_236 = arith.addi %scan3A_49, %scan3A_235 : i32
        %mul3A_237 = arith.constant 1 : i32
        %mul3A_238 = arith.muli %scan3A_236, %mul3A_237 : i32
        %add3A_239 = arith.constant 0 : i32
        %add3A_240 = arith.addi %add3A_239, %mul3A_238 : i32
        %get3A_241 = arith.index_cast %add3A_240 : i32 to index
        %get3A_242 = arith.constant 0 : index
        %get3A_243 = tpu.vector_load %arg9[%get3A_241, %get3A_242] {strides = array<i32>} : memref<128x32xi32, #tpu.memory_space<vmem>>, vector<16xi32>,
        %shift_left3A_244 = arith.shli %get3A_243, %broadcast_in_dim3A_2 : vector<16xi32>
        %bitcast3A_245 = vector.bitcast %shift_left3A_244 : vector<16xi32> to vector<16xf32>
        %and3A_246 = arith.andi %get3A_243, %broadcast_in_dim3A_0 : vector<16xi32>
        %bitcast3A_247 = vector.bitcast %and3A_246 : vector<16xi32> to vector<16xf32>
        %swap3A_248 = arith.index_cast %add3A_240 : i32 to index
        %swap3A_249 = arith.constant 0 : index
        %swap3A_250 = tpu.vector_load %arg10[%swap3A_248, %swap3A_249] {strides = array<i32>} : memref<128x64xf32, #tpu.memory_space<vmem>>, vector<16xf32>,
        tpu.vector_store %arg10[%swap3A_248, %swap3A_249], %bitcast3A_245 {strides = array<i32>} : memref<128x64xf32, #tpu.memory_space<vmem>>, vector<16xf32>,
        %swap3A_251 = arith.index_cast %add3A_240 : i32 to index
        %swap3A_252 = arith.constant 16 : index
        %swap3A_253 = tpu.vector_load %arg10[%swap3A_251, %swap3A_252] {strides = array<i32>} : memref<128x64xf32, #tpu.memory_space<vmem>>, vector<16xf32>,
        tpu.vector_store %arg10[%swap3A_251, %swap3A_252], %bitcast3A_247 {strides = array<i32>} : memref<128x64xf32, #tpu.memory_space<vmem>>, vector<16xf32>,
        %get3A_254 = arith.index_cast %add3A_240 : i32 to index
        %get3A_255 = arith.constant 16 : index
        %get3A_256 = tpu.vector_load %arg9[%get3A_254, %get3A_255] {strides = array<i32>} : memref<128x32xi32, #tpu.memory_space<vmem>>, vector<16xi32>,
        %shift_left3A_257 = arith.shli %get3A_256, %broadcast_in_dim3A_2 : vector<16xi32>
        %bitcast3A_258 = vector.bitcast %shift_left3A_257 : vector<16xi32> to vector<16xf32>
        %and3A_259 = arith.andi %get3A_256, %broadcast_in_dim3A_0 : vector<16xi32>
        %bitcast3A_260 = vector.bitcast %and3A_259 : vector<16xi32> to vector<16xf32>
        %swap3A_261 = arith.index_cast %add3A_240 : i32 to index
        %swap3A_262 = arith.constant 32 : index
        %swap3A_263 = tpu.vector_load %arg10[%swap3A_261, %swap3A_262] {strides = array<i32>} : memref<128x64xf32, #tpu.memory_space<vmem>>, vector<16xf32>,
        tpu.vector_store %arg10[%swap3A_261, %swap3A_262], %bitcast3A_258 {strides = array<i32>} : memref<128x64xf32, #tpu.memory_space<vmem>>, vector<16xf32>,
        %swap3A_264 = arith.index_cast %add3A_240 : i32 to index
        %swap3A_265 = arith.constant 48 : index
        %swap3A_266 = tpu.vector_load %arg10[%swap3A_264, %swap3A_265] {strides = array<i32>} : memref<128x64xf32, #tpu.memory_space<vmem>>, vector<16xf32>,
        tpu.vector_store %arg10[%swap3A_264, %swap3A_265], %bitcast3A_260 {strides = array<i32>} : memref<128x64xf32, #tpu.memory_space<vmem>>, vector<16xf32>,
        %scan3A_267 = arith.constant 7 : i32
        %scan3A_268 = arith.addi %scan3A_49, %scan3A_267 : i32
        %mul3A_269 = arith.constant 1 : i32
        %mul3A_270 = arith.muli %scan3A_268, %mul3A_269 : i32
        %add3A_271 = arith.constant 0 : i32
        %add3A_272 = arith.addi %add3A_271, %mul3A_270 : i32
        %get3A_273 = arith.index_cast %add3A_272 : i32 to index
        %get3A_274 = arith.constant 0 : index
        %get3A_275 = tpu.vector_load %arg9[%get3A_273, %get3A_274] {strides = array<i32>} : memref<128x32xi32, #tpu.memory_space<vmem>>, vector<16xi32>,
        %shift_left3A_276 = arith.shli %get3A_275, %broadcast_in_dim3A_2 : vector<16xi32>
        %bitcast3A_277 = vector.bitcast %shift_left3A_276 : vector<16xi32> to vector<16xf32>
        %and3A_278 = arith.andi %get3A_275, %broadcast_in_dim3A_0 : vector<16xi32>
        %bitcast3A_279 = vector.bitcast %and3A_278 : vector<16xi32> to vector<16xf32>
        %swap3A_280 = arith.index_cast %add3A_272 : i32 to index
        %swap3A_281 = arith.constant 0 : index
        %swap3A_282 = tpu.vector_load %arg10[%swap3A_280, %swap3A_281] {strides = array<i32>} : memref<128x64xf32, #tpu.memory_space<vmem>>, vector<16xf32>,
        tpu.vector_store %arg10[%swap3A_280, %swap3A_281], %bitcast3A_277 {strides = array<i32>} : memref<128x64xf32, #tpu.memory_space<vmem>>, vector<16xf32>,
        %swap3A_283 = arith.index_cast %add3A_272 : i32 to index
        %swap3A_284 = arith.constant 16 : index
        %swap3A_285 = tpu.vector_load %arg10[%swap3A_283, %swap3A_284] {strides = array<i32>} : memref<128x64xf32, #tpu.memory_space<vmem>>, vector<16xf32>,
        tpu.vector_store %arg10[%swap3A_283, %swap3A_284], %bitcast3A_279 {strides = array<i32>} : memref<128x64xf32, #tpu.memory_space<vmem>>, vector<16xf32>,
        %get3A_286 = arith.index_cast %add3A_272 : i32 to index
        %get3A_287 = arith.constant 16 : index
        %get3A_288 = tpu.vector_load %arg9[%get3A_286, %get3A_287] {strides = array<i32>} : memref<128x32xi32, #tpu.memory_space<vmem>>, vector<16xi32>,
        %shift_left3A_289 = arith.shli %get3A_288, %broadcast_in_dim3A_2 : vector<16xi32>
        %bitcast3A_290 = vector.bitcast %shift_left3A_289 : vector<16xi32> to vector<16xf32>
        %and3A_291 = arith.andi %get3A_288, %broadcast_in_dim3A_0 : vector<16xi32>
        %bitcast3A_292 = vector.bitcast %and3A_291 : vector<16xi32> to vector<16xf32>
        %swap3A_293 = arith.index_cast %add3A_272 : i32 to index
        %swap3A_294 = arith.constant 32 : index
        %swap3A_295 = tpu.vector_load %arg10[%swap3A_293, %swap3A_294] {strides = array<i32>} : memref<128x64xf32, #tpu.memory_space<vmem>>, vector<16xf32>,
        tpu.vector_store %arg10[%swap3A_293, %swap3A_294], %bitcast3A_290 {strides = array<i32>} : memref<128x64xf32, #tpu.memory_space<vmem>>, vector<16xf32>,
        %swap3A_296 = arith.index_cast %add3A_272 : i32 to index
        %swap3A_297 = arith.constant 48 : index
        %swap3A_298 = tpu.vector_load %arg10[%swap3A_296, %swap3A_297] {strides = array<i32>} : memref<128x64xf32, #tpu.memory_space<vmem>>, vector<16xf32>,
        tpu.vector_store %arg10[%swap3A_296, %swap3A_297], %bitcast3A_292 {strides = array<i32>} : memref<128x64xf32, #tpu.memory_space<vmem>>, vector<16xf32>,
      }
      %scan3A_48 = arith.constant 128 : i32
      "tpu.region"() ({
        %run_scoped3A = tpu.sem_alloc : memref<!tpu.dma_semaphore, #tpu.memory_space<semaphore_mem>>
        %dma_start3A = arith.constant 0 : i32
        %dma_start3A_49 = tpu.memref_slice %arg8[%add3A_43, %dma_start3A] : memref<80x128xi32, #tpu.memory_space<vmem>> -> memref<1x128xi32, #tpu.memory_space<vmem>>
        %dma_start3A_50 = tpu.memref_squeeze %dma_start3A_49 : memref<1x128xi32, #tpu.memory_space<vmem>> -> memref<128xi32, #tpu.memory_space<vmem>>
        %dma_start3A_51 = arith.constant 0 : i32
        %dma_start3A_52 = arith.constant 0 : i32
        %dma_start3A_53 = tpu.memref_slice %arg11[%dma_start3A_51, %dma_start3A_52] : memref<10496x64xf32, #tpu.memory_space<vmem_shared>> -> memref<10496x64xf32, #tpu.memory_space<vmem_shared>>
        tpu.enqueue_indirect_dma source(%arg10 : memref<128x64xf32, #tpu.memory_space<vmem>>) target(%dma_start3A_53 : memref<10496x64xf32, #tpu.memory_space<vmem_shared>>) offsets(%dma_start3A_50 : memref<128xi32, #tpu.memory_space<vmem>>) semaphore(%run_scoped3A : memref<!tpu.dma_semaphore, #tpu.memory_space<semaphore_mem>>) {add = true}
        %dma_wait3A = arith.constant 0 : i32
        %dma_wait3A_54 = tpu.memref_slice %arg8[%add3A_43, %dma_wait3A] : memref<80x128xi32, #tpu.memory_space<vmem>> -> memref<1x128xi32, #tpu.memory_space<vmem>>
        %dma_wait3A_55 = tpu.memref_squeeze %dma_wait3A_54 : memref<1x128xi32, #tpu.memory_space<vmem>> -> memref<128xi32, #tpu.memory_space<vmem>>
        %dma_wait3A_56 = arith.constant 0 : i32
        %dma_wait3A_57 = arith.constant 0 : i32
        %dma_wait3A_58 = tpu.memref_slice %arg11[%dma_wait3A_56, %dma_wait3A_57] : memref<10496x64xf32, #tpu.memory_space<vmem_shared>> -> memref<10496x64xf32, #tpu.memory_space<vmem_shared>>
        tpu.wait_indirect_dma semaphore(%run_scoped3A : memref<!tpu.dma_semaphore, #tpu.memory_space<semaphore_mem>>) src(%arg10 : memref<128x64xf32, #tpu.memory_space<vmem>>) dst(%dma_wait3A_58 : memref<10496x64xf32, #tpu.memory_space<vmem_shared>>)
        tpu.yield
      }) : () -> ()
    }
    %scan3A_32 = arith.constant 80 : i32
    %barrier3A_33 = arith.constant 0 : index
    tpu.barrier barrier_id(%barrier3A_33)
    %mul3A_34 = arith.constant 656 : i32
    %mul3A_35 = arith.muli %arg1, %mul3A_34 : i32
    %mul3A_36 = arith.constant 656 : i32
    %mul3A_37 = arith.muli %arg1, %mul3A_36 : i32
    "tpu.region"() ({
      %run_scoped3A = tpu.sem_alloc : memref<!tpu.dma_semaphore, #tpu.memory_space<semaphore_mem>>
      %dma_start3A = arith.constant 0 : i32
      %dma_start3A_39 = tpu.memref_slice %arg6[%add3A_22, %mul3A_37, %dma_start3A] : memref<4x10496x64xf32, #tpu.memory_space<hbm>> -> memref<1x656x64xf32, #tpu.memory_space<hbm>>
      %dma_start3A_40 = tpu.memref_squeeze %dma_start3A_39 : memref<1x656x64xf32, #tpu.memory_space<hbm>> -> memref<656x64xf32, #tpu.memory_space<hbm>>
      %dma_start3A_41 = arith.constant 0 : i32
      %dma_start3A_42 = tpu.memref_slice %arg11[%mul3A_35, %dma_start3A_41] : memref<10496x64xf32, #tpu.memory_space<vmem_shared>> -> memref<656x64xf32, #tpu.memory_space<vmem_shared>>
      tpu.enqueue_dma source(%dma_start3A_42 : memref<656x64xf32, #tpu.memory_space<vmem_shared>>) target(%dma_start3A_40 : memref<656x64xf32, #tpu.memory_space<hbm>>) target_semaphore(%run_scoped3A : memref<!tpu.dma_semaphore, #tpu.memory_space<semaphore_mem>>)
      %dma_wait3A = arith.constant 0 : i32
      %dma_wait3A_43 = tpu.memref_slice %arg6[%add3A_22, %mul3A_37, %dma_wait3A] : memref<4x10496x64xf32, #tpu.memory_space<hbm>> -> memref<1x656x64xf32, #tpu.memory_space<hbm>>
      %dma_wait3A_44 = tpu.memref_squeeze %dma_wait3A_43 : memref<1x656x64xf32, #tpu.memory_space<hbm>> -> memref<656x64xf32, #tpu.memory_space<hbm>>
      %dma_wait3A_45 = arith.constant 0 : i32
      %dma_wait3A_46 = tpu.memref_slice %arg11[%mul3A_35, %dma_wait3A_45] : memref<10496x64xf32, #tpu.memory_space<vmem_shared>> -> memref<656x64xf32, #tpu.memory_space<vmem_shared>>
      tpu.wait_dma2 semaphore(%run_scoped3A : memref<!tpu.dma_semaphore, #tpu.memory_space<semaphore_mem>>) src(%dma_wait3A_46 : memref<656x64xf32, #tpu.memory_space<vmem_shared>>) dst(%dma_wait3A_44 : memref<656x64xf32, #tpu.memory_space<hbm>>)
      tpu.yield
    }) : () -> ()
    %barrier3A_38 = arith.constant 0 : index
    tpu.barrier barrier_id(%barrier3A_38)
    return
  }
}

module attributes {stable_mosaic.version = 14 : i64} {
  func.func @_embed_body(%arg0: i32, %arg1: i32, %arg2: memref<512x256xf32, #tpu.memory_space<vmem>>, %arg3: memref<1x256x64xf32, #tpu.memory_space<vmem>>, %arg4: memref<4x64xf32, #tpu.memory_space<vmem>>, %arg5: memref<512x2xf32, #tpu.memory_space<vmem>>, %arg6: memref<1x512x64xf32, #tpu.memory_space<vmem>>, %arg7: memref<512x1xf32, #tpu.memory_space<vmem>>, %arg8: memref<1x512x64xbf16, #tpu.memory_space<vmem>>) attributes {dimension_semantics = [#tpu.dimension_semantics<arbitrary>, #tpu.dimension_semantics<arbitrary>], iteration_bounds = array<i64: 20, 4>, scalar_prefetch = 0 : i64, scratch_operands = 0 : i64, tpu.core_type = #tpu.core_type<tc>, window_params = [{transform_indices = @transform_0, window_bounds = array<i64: 512, 256>}, {transform_indices = @transform_1, window_bounds = array<i64: 1, 256, 64>}, {pipeline_mode = #tpu.pipeline_mode<synchronous>, transform_indices = @transform_2, window_bounds = array<i64: 4, 64>}, {transform_indices = @transform_3, window_bounds = array<i64: 512, 2>}, {transform_indices = @transform_4, window_bounds = array<i64: 1, 512, 64>}, {transform_indices = @transform_5, window_bounds = array<i64: 512, 1>}, {transform_indices = @transform_6, window_bounds = array<i64: 1, 512, 64>}]} {
    %get3A = arith.constant 0 : index
    %get3A_0 = arith.constant 0 : index
    %get3A_1 = vector.load %arg5[%get3A, %get3A_0] : memref<512x2xf32, #tpu.memory_space<vmem>>, vector<512x1xf32>
    %get3A_2 = vector.shape_cast %get3A_1 : vector<512x1xf32> to vector<512xf32>
    %get3A_3 = arith.constant 0 : index
    %get3A_4 = arith.constant 1 : index
    %get3A_5 = vector.load %arg5[%get3A_3, %get3A_4] : memref<512x2xf32, #tpu.memory_space<vmem>>, vector<512x1xf32>
    %get3A_6 = vector.shape_cast %get3A_5 : vector<512x1xf32> to vector<512xf32>
    %add3A = arith.addf %get3A_2, %get3A_6 : vector<512xf32>
    %add3A_7 = arith.constant 1.000000e+00 : f32
    %add3A_8 = vector.broadcast %add3A_7 : f32 to vector<512xf32>
    %add3A_9 = arith.addf %add3A, %add3A_8 : vector<512xf32>
    %rsqrt3A = math.rsqrt %add3A_9 : vector<512xf32>
    %get3A_10 = arith.constant 0 : index
    %get3A_11 = arith.constant 0 : index
    %get3A_12 = vector.load %arg2[%get3A_10, %get3A_11] : memref<512x256xf32, #tpu.memory_space<vmem>>, vector<512x256xf32>
    %get3A_13 = arith.constant 0 : index
    %get3A_14 = arith.constant 0 : index
    %get3A_15 = arith.constant 0 : index
    %get3A_16 = vector.load %arg3[%get3A_13, %get3A_14, %get3A_15] : memref<1x256x64xf32, #tpu.memory_space<vmem>>, vector<1x256x64xf32>
    %get3A_17 = vector.shape_cast %get3A_16 : vector<1x256x64xf32> to vector<256x64xf32>
    %dot_general3A = arith.constant dense<0.000000e+00> : vector<512x64xf32>
    %dot_general3A_18 = tpu.matmul %get3A_12, %get3A_17, %dot_general3A {dimension_numbers = #tpu.dot_dimension_numbers<[1], [0], [0], [1], [0, 0, 1, 1], [], []>, transpose_lhs_hint = false} : vector<512x256xf32>, vector<256x64xf32>, vector<512x64xf32> -> vector<512x64xf32>
    %eq3A = arith.constant 0 : i32
    %eq3A_19 = arith.cmpi eq, %arg1, %eq3A : i32
    %get3A_20 = arith.constant 0 : index
    %get3A_21 = arith.constant 0 : index
    %get3A_22 = vector.load %arg4[%get3A_20, %get3A_21] : memref<4x64xf32, #tpu.memory_space<vmem>>, vector<1x64xf32>
    %get3A_23 = vector.shape_cast %get3A_22 : vector<1x64xf32> to vector<64xf32>
    %eq3A_24 = arith.constant 1 : i32
    %eq3A_25 = arith.cmpi eq, %arg1, %eq3A_24 : i32
    %get3A_26 = arith.constant 1 : index
    %get3A_27 = arith.constant 0 : index
    %get3A_28 = vector.load %arg4[%get3A_26, %get3A_27] : memref<4x64xf32, #tpu.memory_space<vmem>>, vector<1x64xf32>
    %get3A_29 = vector.shape_cast %get3A_28 : vector<1x64xf32> to vector<64xf32>
    %eq3A_30 = arith.constant 2 : i32
    %eq3A_31 = arith.cmpi eq, %arg1, %eq3A_30 : i32
    %get3A_32 = arith.constant 2 : index
    %get3A_33 = arith.constant 0 : index
    %get3A_34 = vector.load %arg4[%get3A_32, %get3A_33] : memref<4x64xf32, #tpu.memory_space<vmem>>, vector<1x64xf32>
    %get3A_35 = vector.shape_cast %get3A_34 : vector<1x64xf32> to vector<64xf32>
    %get3A_36 = arith.constant 3 : index
    %get3A_37 = arith.constant 0 : index
    %get3A_38 = vector.load %arg4[%get3A_36, %get3A_37] : memref<4x64xf32, #tpu.memory_space<vmem>>, vector<1x64xf32>
    %get3A_39 = vector.shape_cast %get3A_38 : vector<1x64xf32> to vector<64xf32>
    %select_n3A = arith.select %eq3A_31, %get3A_35, %get3A_39 : vector<64xf32>
    %select_n3A_40 = arith.select %eq3A_25, %get3A_29, %select_n3A : vector<64xf32>
    %select_n3A_41 = arith.select %eq3A_19, %get3A_23, %select_n3A_40 : vector<64xf32>
    %broadcast_in_dim3A = vector.shape_cast %select_n3A_41 : vector<64xf32> to vector<1x64xf32>
    %add3A_42 = vector.broadcast %broadcast_in_dim3A : vector<1x64xf32> to vector<512x64xf32>
    %add3A_43 = arith.addf %dot_general3A_18, %add3A_42 : vector<512x64xf32>
    %broadcast_in_dim3A_44 = vector.shape_cast %rsqrt3A : vector<512xf32> to vector<512x1xf32>
    %mul3A = vector.broadcast %broadcast_in_dim3A_44 : vector<512x1xf32> to vector<512x64xf32>
    %mul3A_45 = arith.mulf %add3A_43, %mul3A : vector<512x64xf32>
    %swap3A = arith.constant 0 : index
    %swap3A_46 = arith.constant 0 : index
    %swap3A_47 = arith.constant 0 : index
    %swap3A_48 = vector.load %arg6[%swap3A, %swap3A_46, %swap3A_47] : memref<1x512x64xf32, #tpu.memory_space<vmem>>, vector<1x512x64xf32>
    %swap3A_49 = vector.shape_cast %swap3A_48 : vector<1x512x64xf32> to vector<512x64xf32>
    %swap3A_50 = vector.shape_cast %mul3A_45 : vector<512x64xf32> to vector<1x512x64xf32>
    tpu.vector_store %arg6[%swap3A, %swap3A_46, %swap3A_47], %swap3A_50 {strides = array<i32>} : memref<1x512x64xf32, #tpu.memory_space<vmem>>, vector<1x512x64xf32>,
    %broadcast_in_dim3A_51 = vector.shape_cast %rsqrt3A : vector<512xf32> to vector<512x1xf32>
    %swap3A_52 = arith.constant 0 : index
    %swap3A_53 = arith.constant 0 : index
    %swap3A_54 = vector.load %arg7[%swap3A_52, %swap3A_53] : memref<512x1xf32, #tpu.memory_space<vmem>>, vector<512x1xf32>
    tpu.vector_store %arg7[%swap3A_52, %swap3A_53], %broadcast_in_dim3A_51 {strides = array<i32>} : memref<512x1xf32, #tpu.memory_space<vmem>>, vector<512x1xf32>,
    %iota3A = tpu.iota {dimensions = array<i32: 0>} : vector<64x64xi32>
    %iota3A_55 = tpu.iota {dimensions = array<i32: 1>} : vector<64x64xi32>
    %jit3A = arith.constant 32 : i32
    %eq3A_56 = arith.constant 0 : i32
    %eq3A_57 = arith.cmpi eq, %jit3A, %eq3A_56 : i32
    %jit3A_58 = arith.constant 1 : i32
    %select_n3A_59 = arith.select %eq3A_57, %jit3A_58, %jit3A : i32
    %rem3A = vector.broadcast %select_n3A_59 : i32 to vector<64x64xi32>
    %rem3A_60 = arith.remsi %iota3A_55, %rem3A : vector<64x64xi32>
    %ne3A = arith.constant 0 : i32
    %ne3A_61 = vector.broadcast %ne3A : i32 to vector<64x64xi32>
    %ne3A_62 = arith.cmpi ne, %rem3A_60, %ne3A_61 : vector<64x64xi32>
    %lt3A = arith.constant 0 : i32
    %lt3A_63 = vector.broadcast %lt3A : i32 to vector<64x64xi32>
    %lt3A_64 = arith.cmpi slt, %rem3A_60, %lt3A_63 : vector<64x64xi32>
    %lt3A_65 = arith.constant 0 : i32
    %lt3A_66 = arith.cmpi slt, %select_n3A_59, %lt3A_65 : i32
    %ne3A_67 = vector.broadcast %lt3A_66 : i1 to vector<64x64xi1>
    %ne3A_68 = vector.broadcast %ne3A_67 : vector<64x64xi1> to vector<64x64xi1>
    %ne3A_69 = arith.xori %lt3A_64, %ne3A_68 : vector<64x64xi1>
    %and3A = arith.andi %ne3A_69, %ne3A_62 : vector<64x64xi1>
    %add3A_70 = vector.broadcast %select_n3A_59 : i32 to vector<64x64xi32>
    %add3A_71 = arith.addi %rem3A_60, %add3A_70 : vector<64x64xi32>
    %select_n3A_72 = arith.select %and3A, %add3A_71, %rem3A_60 : vector<64x64xi1>, vector<64x64xi32>
    %sub3A = arith.subi %iota3A_55, %select_n3A_72 : vector<64x64xi32>
    %jit3A_73 = arith.constant 2 : i32
    %eq3A_74 = arith.constant 0 : i32
    %eq3A_75 = arith.cmpi eq, %jit3A_73, %eq3A_74 : i32
    %jit3A_76 = arith.constant 1 : i32
    %select_n3A_77 = arith.select %eq3A_75, %jit3A_76, %jit3A_73 : i32
    %rem3A_78 = vector.broadcast %select_n3A_77 : i32 to vector<64x64xi32>
    %rem3A_79 = arith.remsi %select_n3A_72, %rem3A_78 : vector<64x64xi32>
    %ne3A_80 = arith.constant 0 : i32
    %ne3A_81 = vector.broadcast %ne3A_80 : i32 to vector<64x64xi32>
    %ne3A_82 = arith.cmpi ne, %rem3A_79, %ne3A_81 : vector<64x64xi32>
    %lt3A_83 = arith.constant 0 : i32
    %lt3A_84 = vector.broadcast %lt3A_83 : i32 to vector<64x64xi32>
    %lt3A_85 = arith.cmpi slt, %rem3A_79, %lt3A_84 : vector<64x64xi32>
    %lt3A_86 = arith.constant 0 : i32
    %lt3A_87 = arith.cmpi slt, %select_n3A_77, %lt3A_86 : i32
    %ne3A_88 = vector.broadcast %lt3A_87 : i1 to vector<64x64xi1>
    %ne3A_89 = vector.broadcast %ne3A_88 : vector<64x64xi1> to vector<64x64xi1>
    %ne3A_90 = arith.xori %lt3A_85, %ne3A_89 : vector<64x64xi1>
    %and3A_91 = arith.andi %ne3A_90, %ne3A_82 : vector<64x64xi1>
    %add3A_92 = vector.broadcast %select_n3A_77 : i32 to vector<64x64xi32>
    %add3A_93 = arith.addi %rem3A_79, %add3A_92 : vector<64x64xi32>
    %select_n3A_94 = arith.select %and3A_91, %add3A_93, %rem3A_79 : vector<64x64xi1>, vector<64x64xi32>
    %eq3A_95 = arith.constant 0 : i32
    %eq3A_96 = vector.broadcast %eq3A_95 : i32 to vector<64x64xi32>
    %eq3A_97 = arith.cmpi eq, %select_n3A_94, %eq3A_96 : vector<64x64xi32>
    %jit3A_98 = arith.constant 2 : i32
    %div3A = vector.broadcast %jit3A_98 : i32 to vector<64x64xi32>
    %div3A_99 = arith.divsi %select_n3A_72, %div3A : vector<64x64xi32>
    %sign3A = arith.constant 0 : i32
    %sign3A_100 = vector.broadcast %sign3A : i32 to vector<64x64xi32>
    %sign3A_101 = arith.cmpi sgt, %select_n3A_72, %sign3A_100 : vector<64x64xi32>
    %sign3A_102 = arith.extui %sign3A_101 : vector<64x64xi1> to vector<64x64xi32>
    %sign3A_103 = arith.constant 0 : i32
    %sign3A_104 = vector.broadcast %sign3A_103 : i32 to vector<64x64xi32>
    %sign3A_105 = arith.cmpi slt, %select_n3A_72, %sign3A_104 : vector<64x64xi32>
    %sign3A_106 = arith.extui %sign3A_105 : vector<64x64xi1> to vector<64x64xi32>
    %sign3A_107 = arith.subi %sign3A_102, %sign3A_106 : vector<64x64xi32>
    %sign3A_108 = arith.constant 0 : i32
    %sign3A_109 = arith.cmpi sgt, %jit3A_98, %sign3A_108 : i32
    %sign3A_110 = arith.extui %sign3A_109 : i1 to i32
    %sign3A_111 = arith.constant 0 : i32
    %sign3A_112 = arith.cmpi slt, %jit3A_98, %sign3A_111 : i32
    %sign3A_113 = arith.extui %sign3A_112 : i1 to i32
    %sign3A_114 = arith.subi %sign3A_110, %sign3A_113 : i32
    %ne3A_115 = vector.broadcast %sign3A_114 : i32 to vector<64x64xi32>
    %ne3A_116 = arith.cmpi ne, %sign3A_107, %ne3A_115 : vector<64x64xi32>
    %rem3A_117 = vector.broadcast %jit3A_98 : i32 to vector<64x64xi32>
    %rem3A_118 = arith.remsi %select_n3A_72, %rem3A_117 : vector<64x64xi32>
    %ne3A_119 = arith.constant 0 : i32
    %ne3A_120 = vector.broadcast %ne3A_119 : i32 to vector<64x64xi32>
    %ne3A_121 = arith.cmpi ne, %rem3A_118, %ne3A_120 : vector<64x64xi32>
    %and3A_122 = arith.andi %ne3A_116, %ne3A_121 : vector<64x64xi1>
    %sub3A_123 = arith.constant 1 : i32
    %sub3A_124 = vector.broadcast %sub3A_123 : i32 to vector<64x64xi32>
    %sub3A_125 = arith.subi %div3A_99, %sub3A_124 : vector<64x64xi32>
    %select_n3A_126 = arith.select %and3A_122, %sub3A_125, %div3A_99 : vector<64x64xi1>, vector<64x64xi32>
    %sub3A_127 = arith.constant 1 : i32
    %sub3A_128 = vector.broadcast %sub3A_127 : i32 to vector<64x64xi32>
    %sub3A_129 = arith.subi %select_n3A_72, %sub3A_128 : vector<64x64xi32>
    %jit3A_130 = arith.constant 2 : i32
    %div3A_131 = vector.broadcast %jit3A_130 : i32 to vector<64x64xi32>
    %div3A_132 = arith.divsi %sub3A_129, %div3A_131 : vector<64x64xi32>
    %sign3A_133 = arith.constant 0 : i32
    %sign3A_134 = vector.broadcast %sign3A_133 : i32 to vector<64x64xi32>
    %sign3A_135 = arith.cmpi sgt, %sub3A_129, %sign3A_134 : vector<64x64xi32>
    %sign3A_136 = arith.extui %sign3A_135 : vector<64x64xi1> to vector<64x64xi32>
    %sign3A_137 = arith.constant 0 : i32
    %sign3A_138 = vector.broadcast %sign3A_137 : i32 to vector<64x64xi32>
    %sign3A_139 = arith.cmpi slt, %sub3A_129, %sign3A_138 : vector<64x64xi32>
    %sign3A_140 = arith.extui %sign3A_139 : vector<64x64xi1> to vector<64x64xi32>
    %sign3A_141 = arith.subi %sign3A_136, %sign3A_140 : vector<64x64xi32>
    %sign3A_142 = arith.constant 0 : i32
    %sign3A_143 = arith.cmpi sgt, %jit3A_130, %sign3A_142 : i32
    %sign3A_144 = arith.extui %sign3A_143 : i1 to i32
    %sign3A_145 = arith.constant 0 : i32
    %sign3A_146 = arith.cmpi slt, %jit3A_130, %sign3A_145 : i32
    %sign3A_147 = arith.extui %sign3A_146 : i1 to i32
    %sign3A_148 = arith.subi %sign3A_144, %sign3A_147 : i32
    %ne3A_149 = vector.broadcast %sign3A_148 : i32 to vector<64x64xi32>
    %ne3A_150 = arith.cmpi ne, %sign3A_141, %ne3A_149 : vector<64x64xi32>
    %rem3A_151 = vector.broadcast %jit3A_130 : i32 to vector<64x64xi32>
    %rem3A_152 = arith.remsi %sub3A_129, %rem3A_151 : vector<64x64xi32>
    %ne3A_153 = arith.constant 0 : i32
    %ne3A_154 = vector.broadcast %ne3A_153 : i32 to vector<64x64xi32>
    %ne3A_155 = arith.cmpi ne, %rem3A_152, %ne3A_154 : vector<64x64xi32>
    %and3A_156 = arith.andi %ne3A_150, %ne3A_155 : vector<64x64xi1>
    %sub3A_157 = arith.constant 1 : i32
    %sub3A_158 = vector.broadcast %sub3A_157 : i32 to vector<64x64xi32>
    %sub3A_159 = arith.subi %div3A_132, %sub3A_158 : vector<64x64xi32>
    %select_n3A_160 = arith.select %and3A_156, %sub3A_159, %div3A_132 : vector<64x64xi1>, vector<64x64xi32>
    %add3A_161 = arith.constant 16 : i32
    %add3A_162 = vector.broadcast %add3A_161 : i32 to vector<64x64xi32>
    %add3A_163 = arith.addi %add3A_162, %select_n3A_160 : vector<64x64xi32>
    %select_n3A_164 = arith.select %eq3A_97, %select_n3A_126, %add3A_163 : vector<64x64xi1>, vector<64x64xi32>
    %add3A_165 = arith.addi %sub3A, %select_n3A_164 : vector<64x64xi32>
    %eq3A_166 = arith.cmpi eq, %iota3A, %add3A_165 : vector<64x64xi32>
    %convert_element_type3A = arith.extui %eq3A_166 : vector<64x64xi1> to vector<64x64xi32>
    %convert_element_type3A_167 = arith.sitofp %convert_element_type3A : vector<64x64xi32> to vector<64x64xf32>
    %dot_general3A_168 = arith.constant dense<0.000000e+00> : vector<512x64xf32>
    %dot_general3A_169 = tpu.matmul %mul3A_45, %convert_element_type3A_167, %dot_general3A_168 {dimension_numbers = #tpu.dot_dimension_numbers<[1], [0], [0], [1], [0, 0, 1, 1], [], []>, transpose_lhs_hint = false} : vector<512x64xf32>, vector<64x64xf32>, vector<512x64xf32> -> vector<512x64xf32>
    %convert_element_type3A_170 = arith.truncf %dot_general3A_169 : vector<512x64xf32> to vector<512x64xbf16>
    %swap3A_171 = arith.constant 0 : index
    %swap3A_172 = arith.constant 0 : index
    %swap3A_173 = arith.constant 0 : index
    %swap3A_174 = vector.load %arg8[%swap3A_171, %swap3A_172, %swap3A_173] : memref<1x512x64xbf16, #tpu.memory_space<vmem>>, vector<1x512x64xbf16>
    %swap3A_175 = vector.shape_cast %swap3A_174 : vector<1x512x64xbf16> to vector<512x64xbf16>
    %swap3A_176 = vector.shape_cast %convert_element_type3A_170 : vector<512x64xbf16> to vector<1x512x64xbf16>
    tpu.vector_store %arg8[%swap3A_171, %swap3A_172, %swap3A_173], %swap3A_176 {strides = array<i32>} : memref<1x512x64xbf16, #tpu.memory_space<vmem>>, vector<1x512x64xbf16>,
    return
  }
  func.func @transform_0(%arg0: i32, %arg1: i32) -> (i32, i32) {
    %c0_i32 = arith.constant 0 : i32
    %c0_i32_0 = arith.constant 0 : i32
    return %arg0, %c0_i32 : i32, i32
  }
  func.func @transform_1(%arg0: i32, %arg1: i32) -> (i32, i32, i32) {
    %c0_i32 = arith.constant 0 : i32
    %c0_i32_0 = arith.constant 0 : i32
    %c0_i32_1 = arith.constant 0 : i32
    return %arg1, %c0_i32, %c0_i32_0 : i32, i32, i32
  }
  func.func @transform_2(%arg0: i32, %arg1: i32) -> (i32, i32) {
    %c0_i32 = arith.constant 0 : i32
    %c0_i32_0 = arith.constant 0 : i32
    %c0_i32_1 = arith.constant 0 : i32
    return %c0_i32, %c0_i32_0 : i32, i32
  }
  func.func @transform_3(%arg0: i32, %arg1: i32) -> (i32, i32) {
    %c0_i32 = arith.constant 0 : i32
    %c0_i32_0 = arith.constant 0 : i32
    return %arg0, %c0_i32 : i32, i32
  }
  func.func @transform_4(%arg0: i32, %arg1: i32) -> (i32, i32, i32) {
    %c0_i32 = arith.constant 0 : i32
    %c0_i32_0 = arith.constant 0 : i32
    return %arg1, %arg0, %c0_i32 : i32, i32, i32
  }
  func.func @transform_5(%arg0: i32, %arg1: i32) -> (i32, i32) {
    %c0_i32 = arith.constant 0 : i32
    %c0_i32_0 = arith.constant 0 : i32
    return %arg0, %c0_i32 : i32, i32
  }
  func.func @transform_6(%arg0: i32, %arg1: i32) -> (i32, i32, i32) {
    %c0_i32 = arith.constant 0 : i32
    %c0_i32_0 = arith.constant 0 : i32
    return %arg1, %arg0, %c0_i32 : i32, i32, i32
  }
}

module attributes {stable_mosaic.version = 14 : i64} {
  func.func @_final_body(%arg0: i32, %arg1: memref<4x512x64xf32, #tpu.memory_space<vmem>>, %arg2: memref<512x1xf32, #tpu.memory_space<vmem>>, %arg3: memref<512x256xf32, #tpu.memory_space<vmem>>) attributes {dimension_semantics = [#tpu.dimension_semantics<arbitrary>], iteration_bounds = array<i64: 20>, scalar_prefetch = 0 : i64, scratch_operands = 0 : i64, tpu.core_type = #tpu.core_type<tc>, window_params = [{transform_indices = @transform_0, window_bounds = array<i64: 4, 512, 64>}, {transform_indices = @transform_1, window_bounds = array<i64: 512, 1>}, {transform_indices = @transform_2, window_bounds = array<i64: 512, 256>}]} {
    %get3A = arith.constant 0 : index
    %get3A_0 = arith.constant 0 : index
    %get3A_1 = vector.load %arg2[%get3A, %get3A_0] : memref<512x1xf32, #tpu.memory_space<vmem>>, vector<512x1xf32>
    %get3A_2 = arith.constant 0 : index
    %get3A_3 = arith.constant 0 : index
    %get3A_4 = arith.constant 0 : index
    %get3A_5 = vector.load %arg1[%get3A_2, %get3A_3, %get3A_4] : memref<4x512x64xf32, #tpu.memory_space<vmem>>, vector<1x512x64xf32>
    %get3A_6 = vector.shape_cast %get3A_5 : vector<1x512x64xf32> to vector<512x64xf32>
    %mul3A = vector.broadcast %get3A_1 : vector<512x1xf32> to vector<512x64xf32>
    %mul3A_7 = arith.mulf %get3A_6, %mul3A : vector<512x64xf32>
    %swap3A = arith.constant 0 : index
    %swap3A_8 = arith.constant 0 : index
    %swap3A_9 = vector.load %arg3[%swap3A, %swap3A_8] : memref<512x256xf32, #tpu.memory_space<vmem>>, vector<512x64xf32>
    tpu.vector_store %arg3[%swap3A, %swap3A_8], %mul3A_7 {strides = array<i32>} : memref<512x256xf32, #tpu.memory_space<vmem>>, vector<512x64xf32>,
    %get3A_10 = arith.constant 1 : index
    %get3A_11 = arith.constant 0 : index
    %get3A_12 = arith.constant 0 : index
    %get3A_13 = vector.load %arg1[%get3A_10, %get3A_11, %get3A_12] : memref<4x512x64xf32, #tpu.memory_space<vmem>>, vector<1x512x64xf32>
    %get3A_14 = vector.shape_cast %get3A_13 : vector<1x512x64xf32> to vector<512x64xf32>
    %mul3A_15 = vector.broadcast %get3A_1 : vector<512x1xf32> to vector<512x64xf32>
    %mul3A_16 = arith.mulf %get3A_14, %mul3A_15 : vector<512x64xf32>
    %swap3A_17 = arith.constant 0 : index
    %swap3A_18 = arith.constant 64 : index
    %swap3A_19 = vector.load %arg3[%swap3A_17, %swap3A_18] : memref<512x256xf32, #tpu.memory_space<vmem>>, vector<512x64xf32>
    tpu.vector_store %arg3[%swap3A_17, %swap3A_18], %mul3A_16 {strides = array<i32>} : memref<512x256xf32, #tpu.memory_space<vmem>>, vector<512x64xf32>,
    %get3A_20 = arith.constant 2 : index
    %get3A_21 = arith.constant 0 : index
    %get3A_22 = arith.constant 0 : index
    %get3A_23 = vector.load %arg1[%get3A_20, %get3A_21, %get3A_22] : memref<4x512x64xf32, #tpu.memory_space<vmem>>, vector<1x512x64xf32>
    %get3A_24 = vector.shape_cast %get3A_23 : vector<1x512x64xf32> to vector<512x64xf32>
    %mul3A_25 = vector.broadcast %get3A_1 : vector<512x1xf32> to vector<512x64xf32>
    %mul3A_26 = arith.mulf %get3A_24, %mul3A_25 : vector<512x64xf32>
    %swap3A_27 = arith.constant 0 : index
    %swap3A_28 = arith.constant 128 : index
    %swap3A_29 = vector.load %arg3[%swap3A_27, %swap3A_28] : memref<512x256xf32, #tpu.memory_space<vmem>>, vector<512x64xf32>
    tpu.vector_store %arg3[%swap3A_27, %swap3A_28], %mul3A_26 {strides = array<i32>} : memref<512x256xf32, #tpu.memory_space<vmem>>, vector<512x64xf32>,
    %get3A_30 = arith.constant 3 : index
    %get3A_31 = arith.constant 0 : index
    %get3A_32 = arith.constant 0 : index
    %get3A_33 = vector.load %arg1[%get3A_30, %get3A_31, %get3A_32] : memref<4x512x64xf32, #tpu.memory_space<vmem>>, vector<1x512x64xf32>
    %get3A_34 = vector.shape_cast %get3A_33 : vector<1x512x64xf32> to vector<512x64xf32>
    %mul3A_35 = vector.broadcast %get3A_1 : vector<512x1xf32> to vector<512x64xf32>
    %mul3A_36 = arith.mulf %get3A_34, %mul3A_35 : vector<512x64xf32>
    %swap3A_37 = arith.constant 0 : index
    %swap3A_38 = arith.constant 192 : index
    %swap3A_39 = vector.load %arg3[%swap3A_37, %swap3A_38] : memref<512x256xf32, #tpu.memory_space<vmem>>, vector<512x64xf32>
    tpu.vector_store %arg3[%swap3A_37, %swap3A_38], %mul3A_36 {strides = array<i32>} : memref<512x256xf32, #tpu.memory_space<vmem>>, vector<512x64xf32>,
    return
  }
  func.func @transform_0(%arg0: i32) -> (i32, i32, i32) {
    %c0_i32 = arith.constant 0 : i32
    %c0_i32_0 = arith.constant 0 : i32
    %c0_i32_1 = arith.constant 0 : i32
    return %c0_i32, %arg0, %c0_i32_0 : i32, i32, i32
  }
  func.func @transform_1(%arg0: i32) -> (i32, i32) {
    %c0_i32 = arith.constant 0 : i32
    %c0_i32_0 = arith.constant 0 : i32
    return %arg0, %c0_i32 : i32, i32
  }
  func.func @transform_2(%arg0: i32) -> (i32, i32) {
    %c0_i32 = arith.constant 0 : i32
    %c0_i32_0 = arith.constant 0 : i32
    return %arg0, %c0_i32 : i32, i32
  }
}

</mosaic_0001>

<sc_bundles>
// kernel: kernel.6.cloned.1.call-start
scs
__scs_entry_jumppad:
0x0: {  	(pc) =	sbr.rel $0x88, $3  }
0x1: {  	(tag) =	ssettag $0x0;
	lr =	simm.s32 $0x1  }
0x2: {  	[smem:$0x3F9D] =	sst lr;
	_ =	strace $0xD0000000  }
0x3: {  	_ = 	snop  }
0x4: {  	_ = 	snop  }
0x5: {  	_ = 	snop  }
0x6: {  	_ = 	snop  }
0x7: {  	_ = 	snop  }
__scs_overlays_trampoline_lowered:
0x8: {  	[smem:$0x3FAC] =	sst s0  }
0x9: {  	[smem:$0x3FAD] =	sst s1  }
0xa: {  	[smem:$0x3FAE] =	sst s2  }
0xb: {  	[smem:$0x3FAF] =	sst s3  }
0xc: {  	[smem:$0x3FB0] =	sst s4  }
0xd: {  	[smem:$0x3FB1] =	sst s5  }
0xe: {  	[smem:$0x3FB2] =	sst s6  }
0xf: {  	[smem:$0x3FB3] =	sst s7  }
0x10: {  	[smem:$0x3FB4] =	sst s8  }
0x11: {  	[smem:$0x3FB5] =	sst s9;
	s0 =	simm.s32 @!p0 $0x0  }
0x12: {  	s1 =	sld [smem:$0x3F9B];
	s0 =	simm.s32 @p0 $0x1  }
0x13: {  	[smem:$0x3FB6] =	sst s0;
	s0 =	simm.s32 @!p1 $0x0  }
0x14: {  	s2 =	sld [smem:$0x3F9A];
	s0 =	simm.s32 @p1 $0x1  }
0x15: {  	[smem:$0x3FB7] =	sst s0;
	s0 =	simm.s32 @!p2 $0x0  }
0x16: {  	s3 =	sld [smem:$0x3FDB];
	s0 =	simm.s32 @p2 $0x1  }
0x17: {  	s4 =	simm.s32 $0x1BF5;
	[smem:$0x3FB9] =	sst s0  }
0x18: {  	s0 =	sld [smem:$0x3F9C];
	_ =	swait.ge [sflag:s4], $0x0  }
0x19: {  	s7 =	sld [smem:$0x3F9D]  }
0x1a: {  	s8 =	sadd.s32 $0xFFFFE003, lr  }
0x1b: {  	s9 =	sadd.s32 $0xFFFFFEF7, lr;
	s5 =	simm.s32 $0xFFFFFFFF;
	p2 =	slt.u32 s8, $0xFFFFF086  }
0x1c: {  	p1 =	slt.u32 s9, $0xF7A;
	s5 =	simm.s32 @!p2 $0x0  }
0x1d: {  	s5 =	simm.s32 @p1 $0x1;
	p0 =	seq.s32 s7, s2  }
0x1e: {  	s7 =	smul.u32 @!p0 $0xF7A, s2;
	p2 =	seq.s32 @!p0 s5, $0x0  }
0x1f: {  	s9 =	smul.u32 $0xF7A, s1;
	s8 =	simm.s32 @!p0 $0x1BF5;
	p2 =	por !p2, p0  }
0x20: {  	[sflag:s8] =	ssyncset.s32 @!p0 $0xFFFFF086;
	s6 =	sadd.s32 @!p0 s3, s7;
	s7 =	simm.s32 @!p0 $0x108  }
0x21: {  	s3 =	sadd.s32 s3, s9;
	s6 =	sadd.s32 @!p0 $0x88, s6;
	s7 =	simm.s32 @p2 $0x1082  }
0x22: {  	[simem:s7], [sflag:s8] =	dma.local @!p0 [hbm:s6], $0xF7A  }
0x23: {  	s9 =	sor.u32 $0xD0000000, s2;
	s6 =	simm.s32 $0x108;
	_ =	swait.ge @!p0 [sflag:s8], $0x0  }
0x24: {  	s3 =	sadd.s32 $0x88, s3;
	s6 =	simm.s32 @!p1 $0x1082;
	[sflag:s4] =	ssyncset.s32 $0xFFFFF086  }
0x25: {  	[simem:s6], [sflag:s4] =	dma.local [hbm:s3], $0xF7A  }
0x26: {  	[smem:$0x3F9D] =	sst s1;
	(tag) =	ssettag s2;
	_ =	strace s9  }
0x27: {  	s1 =	sld [smem:$0x3FAD]  }
0x28: {  	s2 =	sld [smem:$0x3FAE]  }
0x29: {  	s4 =	sld [smem:$0x3FB0]  }
0x2a: {  	p0 =	seq.s32 s5, $0x0;
	s5 =	sld [smem:$0x3FB1]  }
0x2b: {  	s6 =	sld [smem:$0x3FB2]  }
0x2c: {  	s7 =	sld [smem:$0x3FB3]  }
0x2d: {  	s3 =	simm.s32 $0x108;
	s8 =	sld [smem:$0x3FB4]  }
0x2e: {  	s3 =	simm.s32 @!p0 $0x1082;
	s9 =	sld [smem:$0x3FB5]  }
0x2f: {  	lr =	sadd.s32 s0, s3;
	s0 =	sld [smem:$0x3FAC]  }
0x30: {  	s3 =	sld [smem:$0x3FAF]  }
0x31: {  	[smem:$0x3FB8] =	sst s10  }
0x32: {  	s10 =	sld [smem:$0x3FB6];
	_ =	sdelay $0x3  }
0x33: {  	p0 =	seq.s32 s10, $0x1;
	s10 =	sld [smem:$0x3FB8];
	_ =	sdelay $0x3  }
0x34: {  	[smem:$0x3FB8] =	sst s10  }
0x35: {  	s10 =	sld [smem:$0x3FB7];
	_ =	sdelay $0x3  }
0x36: {  	p1 =	seq.s32 s10, $0x1;
	s10 =	sld [smem:$0x3FB8];
	_ =	sdelay $0x3  }
0x37: {  	[smem:$0x3FB8] =	sst s10  }
0x38: {  	s10 =	sld [smem:$0x3FB9]  }
0x39: {  	_ = 	snop;
	(pc) =	sbr.ind lr, $3  }
0x3a: {  	_ = 	snop  }
0x3b: {  	_ = 	snop  }
0x3c: {  	p2 =	seq.s32 s10, $0x1;
	s10 =	sld [smem:$0x3FB8]  }
0x3d: {  	_ =	shalt  }
0x3e: {  	_ =	shalt  }
0x3f: {  	_ =	shalt  }
0x40: {  	_ =	shalt  }
0x41: {  	_ =	shalt  }
0x42: {  	_ =	shalt  }
0x43: {  	_ =	shalt  }
0x44: {  	_ =	shalt  }
0x45: {  	_ =	shalt  }
0x46: {  	_ =	shalt  }
0x47: {  	_ =	shalt  }
0x48: {  	_ =	shalt  }
0x49: {  	_ =	shalt  }
0x4a: {  	_ =	shalt  }
0x4b: {  	_ =	shalt  }
0x4c: {  	_ =	shalt  }
0x4d: {  	_ =	shalt  }
0x4e: {  	_ =	shalt  }
0x4f: {  	_ =	shalt  }
0x50: {  	_ =	shalt  }
0x51: {  	_ =	shalt  }
0x52: {  	_ =	shalt  }
0x53: {  	_ =	shalt  }
0x54: {  	_ =	shalt  }
0x55: {  	_ =	shalt  }
0x56: {  	_ =	shalt  }
0x57: {  	_ =	shalt  }
0x58: {  	_ =	shalt  }
0x59: {  	_ =	shalt  }
0x5a: {  	_ =	shalt  }
0x5b: {  	_ =	shalt  }
0x5c: {  	_ =	shalt  }
0x5d: {  	_ =	shalt  }
0x5e: {  	_ =	shalt  }
0x5f: {  	_ =	shalt  }
0x60: {  	_ =	shalt  }
0x61: {  	_ =	shalt  }
0x62: {  	_ =	shalt  }
0x63: {  	_ =	shalt  }
0x64: {  	_ =	shalt  }
0x65: {  	_ =	shalt  }
0x66: {  	_ =	shalt  }
0x67: {  	_ =	shalt  }
0x68: {  	_ =	shalt  }
0x69: {  	_ =	shalt  }
0x6a: {  	_ =	shalt  }
0x6b: {  	_ =	shalt  }
0x6c: {  	_ =	shalt  }
0x6d: {  	_ =	shalt  }
0x6e: {  	_ =	shalt  }
0x6f: {  	_ =	shalt  }
0x70: {  	_ =	shalt  }
0x71: {  	_ =	shalt  }
0x72: {  	_ =	shalt  }
0x73: {  	_ =	shalt  }
0x74: {  	_ =	shalt  }
0x75: {  	_ =	shalt  }
0x76: {  	_ =	shalt  }
0x77: {  	_ =	shalt  }
0x78: {  	_ =	shalt  }
0x79: {  	_ =	shalt  }
0x7a: {  	_ =	shalt  }
0x7b: {  	_ =	shalt  }
0x7c: {  	_ =	shalt  }
0x7d: {  	_ =	shalt  }
0x7e: {  	_ =	shalt  }
0x7f: {  	_ =	shalt  }
0x80: {  	_ =	shalt  }
0x81: {  	_ =	shalt  }
0x82: {  	_ =	shalt  }
0x83: {  	_ =	shalt  }
0x84: {  	_ =	shalt  }
0x85: {  	_ =	shalt  }
0x86: {  	_ =	shalt  }
0x87: {  	_ =	shalt  }
.Lfunc_end0:
.L_simem_size_0:
called_computation_lowered:
.L_overlay_start_0:
0x88: {  	s2 =	sld [smem:$0x3FD9]  }
0x89: {  	s3 =	sld [smem:$0x3FFE];
	_ =	sdelay $0x1  }
0x8a: {  	s1 =	srdreg.scid  }
0x8b: {  	s0 =	sand.u32 $0x1, s1  }
0x8c: {  	s17 =	sshll.u32 s0, $0xA;
	s2 =	sadd.s32 s3, s2  }
0x8d: {  	s2 =	sadd.s32 s2, s17  }
0x8e: {  	[smem:$0x3FC4] =	sst s2  }
0x8f: {  	_ = 	snop  }
0x90: {  	s2 =	sld [smem:$0x3FD0];
	(tm) =	ssettm $0x1  }
0x91: {  	s18 =	sld [smem:$0x3FFB];
	_ =	sdelay $0x3  }
0x92: {  	_ =	strace s18  }
0x93: {  	s3 =	sld [smem:$0x3FFC];
	_ =	sdelay $0x3  }
0x94: {  	_ =	strace s3  }
0x95: {  	s3 =	sld [smem:$0x3FFD];
	_ =	sdelay $0x3  }
0x96: {  	_ =	strace s3  }
0x97: {  	_ =	strace $0x8FFFFFFF  }
0x98: {  	s19 =	sld [smem:$0x3FDB];
	_ =	sdelay $0x1  }
0x99: {  	s4 =	simm.s32 $_scs_section_size  }
0x9a: {  	s5 =	simm.s32 $_size__tile_overlayer_lowered;
	s6 =	simm.s32 $_tile_overlayer_lowered  }
0x9b: {  	s22 =	simm.s32 $0x1BFF;
	s21 =	sshll.u32 s6, $0x1;
	s3 =	sadd.s32 s4, s19  }
0x9c: {  	s7 =	simm.s32 $0x0;
	s20 =	sshll.u32 s5, $0x1;
	s5 =	sadd.s32 s21, s3  }
0x9d: {  	[timem:s7], [sflag:s22] =	dma.local [hbm:s5], s20  }
0x9e: {  	_ =	swait.ge [sflag:s22], s20  }
0x9f: {  	s4 =	ssub.s32 $0x0, s20;
	[sflag:s22] =	ssyncset.done $0x0  }
0xa0: {  	[sflag:s22] =	ssyncadd.s32 s4;
	_ =	sdelay $0x1  }
0xa1: {  	s23 =	simm.s32 $0x1B8B  }
0xa2: {  	_ =	swait.ge [sflag:s23], $0x1  }
0xa3: {  	[sflag:s23] =	ssyncset.done $0x0  }
0xa4: {  	s25 =	simm.s32 $0x1B8E;
	s24 =	sld [smem:$0x3FFE];
	[sflag:s23] =	ssyncadd.s32 $0xFFFFFFFF  }
0xa5: {  	s26 =	simm.s32 $execute0_lowered;
	[smem:$0x3FD2] =	sst s25  }
0xa6: {  	s5 =	sshll.u32 s26, $0x1;
	_ =	strace $0x80000046;
	[dreg:$0x1] =	wrdreg $0xFFFFFFFF  }
0xa7: {  	s28 =	simm.s32 $_size_execute0_lowered;
	s3 =	sadd.s32 s3, s5;
	[dreg:$0x0] =	wrdreg $0x0  }
0xa8: {  	s5 =	sshll.u32 s28, $0x1;
	[dreg:$0x2] =	wrdreg s3  }
0xa9: {  	[dreg:$0x3] =	wrdreg s5  }
0xaa: {  	[dreg:$0x4] =	wrdreg $0xC0  }
0xab: {  	_ =	task [dreg:s7], $0x5FFFF  }
0xac: {  	[dreg:$0x1] =	wrdreg $0xFFFFFFFF  }
0xad: {  	[dreg:$0x0] =	wrdreg $0x60  }
0xae: {  	[dreg:$0x2] =	wrdreg s24  }
0xaf: {  	[dreg:$0x3] =	wrdreg s2  }
0xb0: {  	[dreg:$0x4] =	wrdreg $0x17800  }
0xb1: {  	[dreg:$0x5] =	wrdreg $0x9  }
0xb2: {  	_ =	task.clear_ibuf [dreg:s7], $0x6FFFF;
	_ =	strace $0x90000046  }
0xb3: {  	s29 =	simm.s32 $0x9;
	_ =	strace $0x80000048  }
0xb4: {  	_ =	swait.ge [sflag:s29], $0x1  }
0xb5: {  	[sflag:s29] =	ssyncadd.s32 $0xFFFFFFFF  }
0xb6: {  	_ =	strace $0x90000048  }
0xb7: {  	_ =	sfence  }
0xb8: {  	s30 =	sld [smem:$0x0];
	_ =	sdelay $0x2  }
0xb9: {  	s31 =	sshll.u32 s1, $0xD;
	s1 =	sshrl.u32 s1, $0x2  }
0xba: {  	s3 =	sand.u32 $0x4000, s31;
	s1 =	sadd.s32 s1, s30  }
0xbb: {  	s0 =	sor.u32 s3, s0;
	s1 =	sshll.u32 s1, $0x11  }
0xbc: {  	s0 =	sor.u32 s1, s0  }
0xbd: {  	s0 =	sadd.s32 $0x8F2B, s0  }
0xbe: {  	[sflag:s0] =	ssyncadd.remote.s32 $0x1  }
0xbf: {  	_ =	sfence.sel $0xFFFF  }
0xc0: {  	[dreg:$0x0] =	wrdreg $0xFFFFFFFF;
	(pc) =	sbr.abs _section_cstart, $3  }
0xc1: {  	[dreg:$0x1] =	wrdreg $0xFFFFFFFF  }
0xc2: {  	_ =	task.clear_ibuf [dreg:s7], $0x2FFFF;
	_ =	strace $0x9FFFFFFF  }
0xc3: {  	(tm) =	ssettm $0x7FFFFFFF  }
tec
execute0_lowered:
.L_overlay_start_1:
0x0: {  	(tag) =	ssettag $0x1  }
0x1: {  	s5 =	rddreg [dreg:$0x0]  }
0x2: {  	s7 =	rddreg [dreg:$0x1]  }
0x3: {  	s1 =	rddreg [dreg:$0x2]  }
0x4: {  	s2 =	srdreg.scid;
	s0 =	rddreg [dreg:$0x3];
	s3 =	simm.s32 $0x0  }
0x5: {  	s6 =	sand.u32 $0x1, s2;
	s2 =	stileid.u32;
	[smem:$0x7FF] =	sst s3  }
0x6: {  	s12 =	sadd.s32 $0x5000, s5;
	s4 =	sshll.u32 s6, $0x4;
	s8 =	ssub.s32 $0x2, s6  }
0x7: {  	s9 =	smul.u32 $0x290, s2;
	_ =	strace $0x80000047;
	p0 =	seq.s32 s6, $0x1  }
0x8: {  	s4 =	sor.u32 s2, s4;
	s10 =	sshrl.u32 s8, $0x1;
	s7 =	smov.u32 @p0 s12  }
0x9: {  	s12 =	simm.s32 $0x0;
	s11 =	smul.u32 $0x280, s4;
	s8 =	ssub.s32 s8, s10  }
0xa: {  	s4 =	sadd.s32 s9, s1;
	s9 =	sshrl.u32 s9, $0x3;
	s10 =	simm.s32 $0x80  }
0xb: {  	s6 =	smax.u32 s8, $0x1;
	s7 =	sadd.s32 s7, s9;
	s8 =	simm.s32 $0x1480  }
0xc: {  	v0 =	vimm.f32 $0.0e+00;
	v1 =	vimm.f32 $1.000000000e+00;
	s9 =	simm.s32 $0x1;
	s5 =	sadd.s32 s5, s11;
	s11 =	simm.s32 $0x1400  }
.LBB2_1:
0xd: {  	[tilespmem:$0x1480] =	vst v0  }
0xe: {  	[tilespmem:$0x1490] =	vst v0  }
0xf: {  	[tilespmem:$0x14A0] =	vst v0  }
0x10: {  	[tilespmem:$0x14B0] =	vst v0  }
0x11: {  	[tilespmem:$0x14C0] =	vst v0  }
0x12: {  	[tilespmem:$0x14D0] =	vst v0  }
0x13: {  	[tilespmem:$0x14E0] =	vst v0  }
0x14: {  	[tilespmem:$0x14F0] =	vst v0  }
0x15: {  	[tilespmem:$0x1500] =	vst v0  }
0x16: {  	[tilespmem:$0x1510] =	vst v0  }
0x17: {  	[tilespmem:$0x1520] =	vst v0  }
0x18: {  	[tilespmem:$0x1530] =	vst v0  }
0x19: {  	[tilespmem:$0x1540] =	vst v0  }
0x1a: {  	[tilespmem:$0x1550] =	vst v0  }
0x1b: {  	[tilespmem:$0x1560] =	vst v0  }
0x1c: {  	[tilespmem:$0x1570] =	vst v0  }
0x1d: {  	[tilespmem:$0x1580] =	vst v0  }
0x1e: {  	[tilespmem:$0x1590] =	vst v0  }
0x1f: {  	[tilespmem:$0x15A0] =	vst v0  }
0x20: {  	[tilespmem:$0x15B0] =	vst v0  }
0x21: {  	[tilespmem:$0x15C0] =	vst v0  }
0x22: {  	[tilespmem:$0x15D0] =	vst v0  }
0x23: {  	[tilespmem:$0x15E0] =	vst v0  }
0x24: {  	[tilespmem:$0x15F0] =	vst v0  }
0x25: {  	[tilespmem:$0x1600] =	vst v0  }
0x26: {  	[tilespmem:$0x1610] =	vst v0  }
0x27: {  	[tilespmem:$0x1620] =	vst v0  }
0x28: {  	[tilespmem:$0x1630] =	vst v0  }
0x29: {  	[tilespmem:$0x1640] =	vst v0  }
0x2a: {  	[tilespmem:$0x1650] =	vst v0  }
0x2b: {  	[tilespmem:$0x1660] =	vst v0  }
0x2c: {  	[tilespmem:$0x1670] =	vst v0  }
0x2d: {  	[tilespmem:$0x1680] =	vst v0  }
0x2e: {  	[tilespmem:$0x1690] =	vst v0  }
0x2f: {  	[tilespmem:$0x16A0] =	vst v0  }
0x30: {  	[tilespmem:$0x16B0] =	vst v0  }
0x31: {  	[tilespmem:$0x16C0] =	vst v0  }
0x32: {  	[tilespmem:$0x16D0] =	vst v0  }
0x33: {  	[tilespmem:$0x16E0] =	vst v0  }
0x34: {  	[tilespmem:$0x16F0] =	vst v0  }
0x35: {  	[tilespmem:$0x1700] =	vst v0  }
0x36: {  	[tilespmem:$0x1400] =	vst v1  }
0x37: {  	[tilespmem:$0x1410] =	vst v1  }
0x38: {  	[tilespmem:$0x1420] =	vst v1  }
0x39: {  	[tilespmem:$0x1430] =	vst v1  }
0x3a: {  	[tilespmem:$0x1440] =	vst v1  }
0x3b: {  	[tilespmem:$0x1450] =	vst v1  }
0x3c: {  	[tilespmem:$0x1460] =	vst v1  }
0x3d: {  	[tilespmem:$0x1470] =	vst v1  }
0x3e: {  	[spmem:s4] =	stream.linear.scatter [tilespmem:s8], [sflag:$0x1], $0x290, $0x38;
	[tilespmem:$0x1A10] =	vst v63  }
0x3f: {  	_ =	swait.ge [sflag:s9], $0x290  }
0x40: {  	[sflag:s9] =	ssyncset.done $0x0  }
0x41: {  	[sflag:s9] =	ssyncadd.s32 $0xFFFFFD70  }
0x42: {  	[bflag:$0x0] =	sbarrier.arrive $0xFFFF  }
0x43: {  	[tilespmem:s3], [sflag:$0x1] =	stream.linear.gather [hbm4b:s5+s3], $0x1400, $0x38;
	[tilespmem:$0x1A10] =	vst v63  }
0x44: {  	_ =	swait.ge [sflag:s9], $0x1400  }
0x45: {  	[sflag:s9] =	ssyncset.done $0x0  }
0x46: {  	s13 =	simm.s32 $0x0;
	[sflag:s9] =	ssyncadd.s32 $0xFFFFEC00  }
0x47: {  	[spmem:s1] =	stream.indirect.scatter.add.f32 [tilespmem:s11], [sflag:$0x1], $0x1, s13, s10, $0xb8;
	[tilespmem:$0x1A10] =	vst v63  }
0x48: {  	_ =	swait.ge [sflag:s9], $0x80  }
0x49: {  	s13 =	simm.s32 $0x200;
	[sflag:s9] =	ssyncset.done $0x0  }
.LBB2_2:
0x4a: {  	s14 =	sshra.s32 s13, $0x2;
	[sflag:s9] =	ssyncadd.s32 $0xFFFFFF80;
	p0 =	sne.s32 s13, $0x4E00  }
0x4b: {  	[spmem:s1] =	stream.indirect.scatter.add.f32 [tilespmem:s11], [sflag:$0x1], $0x1, s14, s10, $0xb8;
	[tilespmem:$0x1A10] =	vst v63  }
.Ltmp0:
0x4c: {  	_ = 	snop;
	(pc) =	sbr.rel @p0 .LBB2_2-.Ltmp0, $4  }
0x4d: {  	_ = 	snop  }
0x4e: {  	s13 =	sadd.s32 $0x200, s13  }
0x4f: {  	_ =	swait.ge [sflag:s9], $0x80  }
0x50: {  	[sflag:s9] =	ssyncset.done $0x0  }
0x51: {  	[sflag:s9] =	ssyncadd.s32 $0xFFFFFF80  }
0x52: {  	[bflag:$0x0] =	sbarrier.arrive $0xFFFF  }
0x53: {  	[tilespmem:s8], [sflag:$0x1] =	stream.linear.gather [spmem:s4], $0x290, $0x38;
	[tilespmem:$0x1A10] =	vst v63  }
0x54: {  	s12 =	sadd.s32 $0x1, s12;
	_ =	swait.ge [sflag:s9], $0x290  }
0x55: {  	p0 =	sne.s32 s12, s6;
	[sflag:s9] =	ssyncset.done $0x0  }
.Ltmp1:
0x56: {  	[sflag:s9] =	ssyncadd.s32 $0xFFFFFD70;
	(pc) =	sbr.rel @p0 .LBB2_1-.Ltmp1, $4  }
0x57: {  	[hbm4b:s7+s3] =	stream.linear.scatter [tilespmem:s8], [sflag:$0x1], $0x290, $0x38;
	[tilespmem:$0x1A10] =	vst v63  }
0x58: {  	_ =	swait.ge [sflag:s9], $0x290  }
0x59: {  	[sflag:s9] =	ssyncset.done $0x0  }
0x5a: {  	[sflag:s9] =	ssyncadd.s32 $0xFFFFFD70  }
0x5b: {  	_ =	sfence.sel $0x180000  }
0x5c: {  	[bflag:$0x0] =	sbarrier.arrive $0xFFFF  }
0x5d: {  	p0 =	sne.s32 s2, $0x0;
	_ =	strace $0x90000047  }
0x5e: {  	s0 =	sadd.s32 @!p0 $0x100000, s0;
	[bflag:$0x2] =	sbarrier.arrive $0xFFFF  }
0x5f: {  	[sflag:s0] =	ssyncadd.tile.s32 @!p0 $0x1;
	_ =	shalt  }
.Lfunc_end2:
_tile_overlayer_lowered:
.L_overlay_start_2:
0x60: {  	(tag) =	ssettag $0x2  }
0x61: {  	s0 =	rddreg [dreg:$0x0];
	s2 =	stileid.u32  }
0x62: {  	s1 =	rddreg [dreg:$0x1];
	p0 =	sne.s32 s2, $0x0  }
0x63: {  	s3 =	rddreg [dreg:$0x2];
	[bflag:$0x3] =	sbarrier.arrive $0xFFFF;
	s2 =	simm.s32 @!p0 $0x1C01  }
0x64: {  	[timem:s3], [sflag:s2] =	dma.local @!p0 [hbm:s0], s1  }
0x65: {  	s0 =	simm.s32 @!p0 $0x1  }
0x66: {  	_ =	swait.ge @!p0 [sflag:s0], s1  }
0x67: {  	s1 =	ssub.s32 @!p0 $0x0, s1;
	[sflag:s0] =	ssyncset.done @!p0 $0x0  }
0x68: {  	[sflag:s0] =	ssyncadd.s32 @!p0 s1  }
0x69: {  	[bflag:$0x3] =	sbarrier.arrive $0xFFFF  }
0x6a: {  	_ =	shalt  }

// kernel: kernel.9.cloned.1.call-start
scs
__scs_entry_jumppad:
0x0: {  	(pc) =	sbr.rel $0x88, $3  }
0x1: {  	(tag) =	ssettag $0x0;
	lr =	simm.s32 $0x1  }
0x2: {  	[smem:$0x3F9D] =	sst lr;
	_ =	strace $0xD0000000  }
0x3: {  	_ = 	snop  }
0x4: {  	_ = 	snop  }
0x5: {  	_ = 	snop  }
0x6: {  	_ = 	snop  }
0x7: {  	_ = 	snop  }
__scs_overlays_trampoline_lowered:
0x8: {  	[smem:$0x3FAC] =	sst s0  }
0x9: {  	[smem:$0x3FAD] =	sst s1  }
0xa: {  	[smem:$0x3FAE] =	sst s2  }
0xb: {  	[smem:$0x3FAF] =	sst s3  }
0xc: {  	[smem:$0x3FB0] =	sst s4  }
0xd: {  	[smem:$0x3FB1] =	sst s5  }
0xe: {  	[smem:$0x3FB2] =	sst s6  }
0xf: {  	[smem:$0x3FB3] =	sst s7  }
0x10: {  	[smem:$0x3FB4] =	sst s8  }
0x11: {  	[smem:$0x3FB5] =	sst s9;
	s0 =	simm.s32 @!p0 $0x0  }
0x12: {  	s1 =	sld [smem:$0x3F9B];
	s0 =	simm.s32 @p0 $0x1  }
0x13: {  	[smem:$0x3FB6] =	sst s0;
	s0 =	simm.s32 @!p1 $0x0  }
0x14: {  	s2 =	sld [smem:$0x3F9A];
	s0 =	simm.s32 @p1 $0x1  }
0x15: {  	[smem:$0x3FB7] =	sst s0;
	s0 =	simm.s32 @!p2 $0x0  }
0x16: {  	s3 =	sld [smem:$0x3FDB];
	s0 =	simm.s32 @p2 $0x1  }
0x17: {  	s4 =	simm.s32 $0x1BF5;
	[smem:$0x3FB9] =	sst s0  }
0x18: {  	s0 =	sld [smem:$0x3F9C];
	_ =	swait.ge [sflag:s4], $0x0  }
0x19: {  	s7 =	sld [smem:$0x3F9D]  }
0x1a: {  	s8 =	sadd.s32 $0xFFFFE003, lr  }
0x1b: {  	s9 =	sadd.s32 $0xFFFFFEF7, lr;
	s5 =	simm.s32 $0xFFFFFFFF;
	p2 =	slt.u32 s8, $0xFFFFF086  }
0x1c: {  	p1 =	slt.u32 s9, $0xF7A;
	s5 =	simm.s32 @!p2 $0x0  }
0x1d: {  	s5 =	simm.s32 @p1 $0x1;
	p0 =	seq.s32 s7, s2  }
0x1e: {  	s7 =	smul.u32 @!p0 $0xF7A, s2;
	p2 =	seq.s32 @!p0 s5, $0x0  }
0x1f: {  	s9 =	smul.u32 $0xF7A, s1;
	s8 =	simm.s32 @!p0 $0x1BF5;
	p2 =	por !p2, p0  }
0x20: {  	[sflag:s8] =	ssyncset.s32 @!p0 $0xFFFFF086;
	s6 =	sadd.s32 @!p0 s3, s7;
	s7 =	simm.s32 @!p0 $0x108  }
0x21: {  	s3 =	sadd.s32 s3, s9;
	s6 =	sadd.s32 @!p0 $0x88, s6;
	s7 =	simm.s32 @p2 $0x1082  }
0x22: {  	[simem:s7], [sflag:s8] =	dma.local @!p0 [hbm:s6], $0xF7A  }
0x23: {  	s9 =	sor.u32 $0xD0000000, s2;
	s6 =	simm.s32 $0x108;
	_ =	swait.ge @!p0 [sflag:s8], $0x0  }
0x24: {  	s3 =	sadd.s32 $0x88, s3;
	s6 =	simm.s32 @!p1 $0x1082;
	[sflag:s4] =	ssyncset.s32 $0xFFFFF086  }
0x25: {  	[simem:s6], [sflag:s4] =	dma.local [hbm:s3], $0xF7A  }
0x26: {  	[smem:$0x3F9D] =	sst s1;
	(tag) =	ssettag s2;
	_ =	strace s9  }
0x27: {  	s1 =	sld [smem:$0x3FAD]  }
0x28: {  	s2 =	sld [smem:$0x3FAE]  }
0x29: {  	s4 =	sld [smem:$0x3FB0]  }
0x2a: {  	p0 =	seq.s32 s5, $0x0;
	s5 =	sld [smem:$0x3FB1]  }
0x2b: {  	s6 =	sld [smem:$0x3FB2]  }
0x2c: {  	s7 =	sld [smem:$0x3FB3]  }
0x2d: {  	s3 =	simm.s32 $0x108;
	s8 =	sld [smem:$0x3FB4]  }
0x2e: {  	s3 =	simm.s32 @!p0 $0x1082;
	s9 =	sld [smem:$0x3FB5]  }
0x2f: {  	lr =	sadd.s32 s0, s3;
	s0 =	sld [smem:$0x3FAC]  }
0x30: {  	s3 =	sld [smem:$0x3FAF]  }
0x31: {  	[smem:$0x3FB8] =	sst s10  }
0x32: {  	s10 =	sld [smem:$0x3FB6];
	_ =	sdelay $0x3  }
0x33: {  	p0 =	seq.s32 s10, $0x1;
	s10 =	sld [smem:$0x3FB8];
	_ =	sdelay $0x3  }
0x34: {  	[smem:$0x3FB8] =	sst s10  }
0x35: {  	s10 =	sld [smem:$0x3FB7];
	_ =	sdelay $0x3  }
0x36: {  	p1 =	seq.s32 s10, $0x1;
	s10 =	sld [smem:$0x3FB8];
	_ =	sdelay $0x3  }
0x37: {  	[smem:$0x3FB8] =	sst s10  }
0x38: {  	s10 =	sld [smem:$0x3FB9]  }
0x39: {  	_ = 	snop;
	(pc) =	sbr.ind lr, $3  }
0x3a: {  	_ = 	snop  }
0x3b: {  	_ = 	snop  }
0x3c: {  	p2 =	seq.s32 s10, $0x1;
	s10 =	sld [smem:$0x3FB8]  }
0x3d: {  	_ =	shalt  }
0x3e: {  	_ =	shalt  }
0x3f: {  	_ =	shalt  }
0x40: {  	_ =	shalt  }
0x41: {  	_ =	shalt  }
0x42: {  	_ =	shalt  }
0x43: {  	_ =	shalt  }
0x44: {  	_ =	shalt  }
0x45: {  	_ =	shalt  }
0x46: {  	_ =	shalt  }
0x47: {  	_ =	shalt  }
0x48: {  	_ =	shalt  }
0x49: {  	_ =	shalt  }
0x4a: {  	_ =	shalt  }
0x4b: {  	_ =	shalt  }
0x4c: {  	_ =	shalt  }
0x4d: {  	_ =	shalt  }
0x4e: {  	_ =	shalt  }
0x4f: {  	_ =	shalt  }
0x50: {  	_ =	shalt  }
0x51: {  	_ =	shalt  }
0x52: {  	_ =	shalt  }
0x53: {  	_ =	shalt  }
0x54: {  	_ =	shalt  }
0x55: {  	_ =	shalt  }
0x56: {  	_ =	shalt  }
0x57: {  	_ =	shalt  }
0x58: {  	_ =	shalt  }
0x59: {  	_ =	shalt  }
0x5a: {  	_ =	shalt  }
0x5b: {  	_ =	shalt  }
0x5c: {  	_ =	shalt  }
0x5d: {  	_ =	shalt  }
0x5e: {  	_ =	shalt  }
0x5f: {  	_ =	shalt  }
0x60: {  	_ =	shalt  }
0x61: {  	_ =	shalt  }
0x62: {  	_ =	shalt  }
0x63: {  	_ =	shalt  }
0x64: {  	_ =	shalt  }
0x65: {  	_ =	shalt  }
0x66: {  	_ =	shalt  }
0x67: {  	_ =	shalt  }
0x68: {  	_ =	shalt  }
0x69: {  	_ =	shalt  }
0x6a: {  	_ =	shalt  }
0x6b: {  	_ =	shalt  }
0x6c: {  	_ =	shalt  }
0x6d: {  	_ =	shalt  }
0x6e: {  	_ =	shalt  }
0x6f: {  	_ =	shalt  }
0x70: {  	_ =	shalt  }
0x71: {  	_ =	shalt  }
0x72: {  	_ =	shalt  }
0x73: {  	_ =	shalt  }
0x74: {  	_ =	shalt  }
0x75: {  	_ =	shalt  }
0x76: {  	_ =	shalt  }
0x77: {  	_ =	shalt  }
0x78: {  	_ =	shalt  }
0x79: {  	_ =	shalt  }
0x7a: {  	_ =	shalt  }
0x7b: {  	_ =	shalt  }
0x7c: {  	_ =	shalt  }
0x7d: {  	_ =	shalt  }
0x7e: {  	_ =	shalt  }
0x7f: {  	_ =	shalt  }
0x80: {  	_ =	shalt  }
0x81: {  	_ =	shalt  }
0x82: {  	_ =	shalt  }
0x83: {  	_ =	shalt  }
0x84: {  	_ =	shalt  }
0x85: {  	_ =	shalt  }
0x86: {  	_ =	shalt  }
0x87: {  	_ =	shalt  }
.Lfunc_end0:
.L_simem_size_0:
called_computation.1_lowered:
.L_overlay_start_0:
0x88: {  	s2 =	sld [smem:$0x3FD9]  }
0x89: {  	s3 =	sld [smem:$0x3FFE];
	_ =	sdelay $0x1  }
0x8a: {  	s1 =	srdreg.scid  }
0x8b: {  	s0 =	sand.u32 $0x1, s1  }
0x8c: {  	s17 =	sshll.u32 s0, $0xA;
	s2 =	sadd.s32 s3, s2  }
0x8d: {  	s2 =	sadd.s32 s2, s17  }
0x8e: {  	[smem:$0x3FC4] =	sst s2  }
0x8f: {  	_ = 	snop  }
0x90: {  	s2 =	sld [smem:$0x3FD0];
	(tm) =	ssettm $0x1  }
0x91: {  	s18 =	sld [smem:$0x3FFB];
	_ =	sdelay $0x3  }
0x92: {  	_ =	strace s18  }
0x93: {  	s3 =	sld [smem:$0x3FFC];
	_ =	sdelay $0x3  }
0x94: {  	_ =	strace s3  }
0x95: {  	s3 =	sld [smem:$0x3FFD];
	_ =	sdelay $0x3  }
0x96: {  	_ =	strace s3  }
0x97: {  	_ =	strace $0x8FFFFFFF  }
0x98: {  	s19 =	sld [smem:$0x3FDB];
	_ =	sdelay $0x1  }
0x99: {  	s4 =	simm.s32 $_scs_section_size  }
0x9a: {  	s5 =	simm.s32 $_size__tile_overlayer_lowered;
	s6 =	simm.s32 $_tile_overlayer_lowered  }
0x9b: {  	s22 =	simm.s32 $0x1BFF;
	s21 =	sshll.u32 s6, $0x1;
	s3 =	sadd.s32 s4, s19  }
0x9c: {  	s7 =	simm.s32 $0x0;
	s20 =	sshll.u32 s5, $0x1;
	s5 =	sadd.s32 s21, s3  }
0x9d: {  	[timem:s7], [sflag:s22] =	dma.local [hbm:s5], s20  }
0x9e: {  	_ =	swait.ge [sflag:s22], s20  }
0x9f: {  	s4 =	ssub.s32 $0x0, s20;
	[sflag:s22] =	ssyncset.done $0x0  }
0xa0: {  	[sflag:s22] =	ssyncadd.s32 s4;
	_ =	sdelay $0x1  }
0xa1: {  	s23 =	simm.s32 $0x1B8B  }
0xa2: {  	_ =	swait.ge [sflag:s23], $0x1  }
0xa3: {  	[sflag:s23] =	ssyncset.done $0x0  }
0xa4: {  	s25 =	simm.s32 $0x1B8E;
	s24 =	sld [smem:$0x3FFE];
	[sflag:s23] =	ssyncadd.s32 $0xFFFFFFFF  }
0xa5: {  	s26 =	simm.s32 $execute0_lowered;
	[smem:$0x3FD2] =	sst s25  }
0xa6: {  	s5 =	sshll.u32 s26, $0x1;
	_ =	strace $0x80000049;
	[dreg:$0x1] =	wrdreg $0xFFFFFFFF  }
0xa7: {  	s28 =	simm.s32 $_size_execute0_lowered;
	s3 =	sadd.s32 s3, s5;
	[dreg:$0x0] =	wrdreg $0x0  }
0xa8: {  	s5 =	sshll.u32 s28, $0x1;
	[dreg:$0x2] =	wrdreg s3  }
0xa9: {  	[dreg:$0x3] =	wrdreg s5  }
0xaa: {  	[dreg:$0x4] =	wrdreg $0xC0  }
0xab: {  	_ =	task [dreg:s7], $0x5FFFF  }
0xac: {  	[dreg:$0x1] =	wrdreg $0xFFFFFFFF  }
0xad: {  	[dreg:$0x0] =	wrdreg $0x60  }
0xae: {  	[dreg:$0x2] =	wrdreg s24  }
0xaf: {  	[dreg:$0x3] =	wrdreg s2  }
0xb0: {  	[dreg:$0x4] =	wrdreg $0x80000  }
0xb1: {  	[dreg:$0x5] =	wrdreg $0x9  }
0xb2: {  	_ =	task.clear_ibuf [dreg:s7], $0x6FFFF;
	_ =	strace $0x90000049  }
0xb3: {  	s29 =	simm.s32 $0x9;
	_ =	strace $0x8000004B  }
0xb4: {  	_ =	swait.ge [sflag:s29], $0x1  }
0xb5: {  	[sflag:s29] =	ssyncadd.s32 $0xFFFFFFFF  }
0xb6: {  	_ =	strace $0x9000004B  }
0xb7: {  	_ =	sfence  }
0xb8: {  	s30 =	sld [smem:$0x0];
	_ =	sdelay $0x2  }
0xb9: {  	s31 =	sshll.u32 s1, $0xD;
	s1 =	sshrl.u32 s1, $0x2  }
0xba: {  	s3 =	sand.u32 $0x4000, s31;
	s1 =	sadd.s32 s1, s30  }
0xbb: {  	s0 =	sor.u32 s3, s0;
	s1 =	sshll.u32 s1, $0x11  }
0xbc: {  	s0 =	sor.u32 s1, s0  }
0xbd: {  	s0 =	sadd.s32 $0x8F2B, s0  }
0xbe: {  	[sflag:s0] =	ssyncadd.remote.s32 $0x1  }
0xbf: {  	_ =	sfence.sel $0xFFFF  }
0xc0: {  	[dreg:$0x0] =	wrdreg $0xFFFFFFFF;
	(pc) =	sbr.abs _section_cstart, $3  }
0xc1: {  	[dreg:$0x1] =	wrdreg $0xFFFFFFFF  }
0xc2: {  	_ =	task.clear_ibuf [dreg:s7], $0x2FFFF;
	_ =	strace $0x9FFFFFFF  }
0xc3: {  	(tm) =	ssettm $0x7FFFFFFF  }
tec
execute0_lowered:
.L_overlay_start_1:
0x0: {  	(tag) =	ssettag $0x1  }
0x1: {  	s4 =	rddreg [dreg:$0x0]  }
0x2: {  	s10 =	rddreg [dreg:$0x1]  }
0x3: {  	s1 =	rddreg [dreg:$0x2]  }
0x4: {  	s0 =	rddreg [dreg:$0x3];
	s3 =	simm.s32 $0x0;
	s5 =	srdreg.scid  }
0x5: {  	s2 =	stileid.u32;
	s18 =	simm.s32 $0x5000;
	s19 =	simm.s32 $0x6000  }
0x6: {  	s20 =	simm.s32 $0x0;
	[smem:$0x7FF] =	sst s3;
	s29 =	smul.u32 $0x500, s2  }
0x7: {  	s9 =	sadd.s32 $0x5A600, s4;
	s6 =	sand.u32 $0x1, s5;
	s8 =	smul.u32 $0xA400, s2  }
0x8: {  	s11 =	sadd.s32 $0xAC600, s4;
	s31 =	sshll.u32 s2, $0x6;
	s13 =	smul.u32 $0x148000, s6  }
0x9: {  	s7 =	ssub.s32 $0x2, s6;
	s14 =	sshllo.u32 s6, $0x1;
	s15 =	smul.u32 $0x14800, s6  }
0xa: {  	_ =	strace $0x8000004A;
	s12 =	sshrl.u32 s7, $0x1;
	s30 =	smul.u32 $0xA4000, s14  }
0xb: {  	s4 =	sadd.s32 s4, s29;
	s16 =	sadd.s32 s8, s1;
	s14 =	smul.u32 $0xA400, s14  }
0xc: {  	s12 =	ssub.s32 s7, s12;
	s5 =	sadd.s32 $0x55600, s4;
	s13 =	sadd.s32 s8, s13  }
0xd: {  	s16 =	sshrl.u32 s16, $0x3;
	s13 =	sshrl.u32 s13, $0x3;
	s7 =	sadd.s32 s8, s30  }
0xe: {  	s12 =	smax.u32 s12, $0x1;
	s6 =	sadd.s32 s9, s13;
	s17 =	sshrl.u32 s7, $0x3  }
0xf: {  	s7 =	sadd.s32 s10, s15;
	s8 =	sadd.s32 s11, s13;
	s10 =	sadd.s32 s10, s14  }
0x10: {  	s13 =	simm.s32 $0x1;
	s14 =	simm.s32 $0x2800;
	s15 =	sor.u32 $0x1C01, s31  }
0x11: {  	s9 =	sadd.s32 s9, s17;
	s11 =	sadd.s32 s11, s17;
	s17 =	simm.s32 $0x80  }
.LBB2_1:
0x12: {  	[tilespmem:s3], [sflag:$0x1] =	stream.linear.gather [hbm4b:s5+s3], $0x2800, $0x38;
	[tilespmem:$0x12400] =	vst v63  }
0x13: {  	_ =	swait.ge [sflag:s13], $0x2800  }
0x14: {  	[sflag:s13] =	ssyncset.done $0x0  }
0x15: {  	[sflag:s13] =	ssyncadd.s32 $0xFFFFD800  }
0x16: {  	[tilespmem:s14], [sflag:$0x1] =	stream.linear.gather [hbm4b:s4+s3], $0x2800, $0x38;
	[tilespmem:$0x12400] =	vst v63  }
0x17: {  	_ =	swait.ge [sflag:s13], $0x2800  }
0x18: {  	[sflag:s13] =	ssyncset.done $0x0  }
0x19: {  	[sflag:s13] =	ssyncadd.s32 $0xFFFFD800  }
0x1a: {  	[spmem:s16], [sflag:s15] =	dma.local [hbm:s6], $0x1480  }
0x1b: {  	_ =	swait.ge [sflag:s13], $0x1480  }
0x1c: {  	[sflag:s13] =	ssyncset.done $0x0  }
0x1d: {  	[sflag:s13] =	ssyncadd.s32 $0xFFFFEB80  }
0x1e: {  	s21 =	simm.s32 $0x0;
	[bflag:$0x0] =	sbarrier.arrive $0xFFFF  }
.LBB2_2:
0x1f: {  	s22 =	sshll.u32 s21, $0x7  }
0x20: {  	[tilespmem:s18], [sflag:$0x1] =	stream.indirect.gather [hbm4b:s7+s17], $0x20, s22, s17, $0xb8;
	[tilespmem:$0x12400] =	vst v63  }
0x21: {  	_ =	swait.ge [sflag:s13], $0x1000  }
0x22: {  	[sflag:s13] =	ssyncset.done $0x0  }
0x23: {  	s24 =	simm.s32 $0x5080;
	[sflag:s13] =	ssyncadd.s32 $0xFFFFF000  }
0x24: {  	v0 =	vld [tilespmem:s24+$0xFFFFFF80];
	_ =	sdelay $0x4  }
0x25: {  	s23 =	simm.s32 $0x6100;
	v1 =	vshll.u32 v0, $0x10  }
0x26: {  	v0 =	vand.u32 $0xFFFF0000, v0;
	[tilespmem:s23+$0xFFFFFF00] =	vst v1  }
0x27: {  	[tilespmem:s23+$0xFFFFFF10] =	vst v0  }
0x28: {  	v0 =	vld [tilespmem:s24+$0xFFFFFF90];
	_ =	sdelay $0x4  }
0x29: {  	v1 =	vshll.u32 v0, $0x10  }
0x2a: {  	v0 =	vand.u32 $0xFFFF0000, v0;
	[tilespmem:s23+$0xFFFFFF20] =	vst v1  }
0x2b: {  	[tilespmem:s23+$0xFFFFFF30] =	vst v0  }
0x2c: {  	v0 =	vld [tilespmem:s24+$0xFFFFFFA0];
	_ =	sdelay $0x4  }
0x2d: {  	v1 =	vshll.u32 v0, $0x10  }
0x2e: {  	v0 =	vand.u32 $0xFFFF0000, v0;
	[tilespmem:s23+$0xFFFFFF40] =	vst v1  }
0x2f: {  	[tilespmem:s23+$0xFFFFFF50] =	vst v0  }
0x30: {  	v0 =	vld [tilespmem:s24+$0xFFFFFFB0];
	_ =	sdelay $0x4  }
0x31: {  	v1 =	vshll.u32 v0, $0x10  }
0x32: {  	v0 =	vand.u32 $0xFFFF0000, v0;
	[tilespmem:s23+$0xFFFFFF60] =	vst v1  }
0x33: {  	[tilespmem:s23+$0xFFFFFF70] =	vst v0  }
0x34: {  	v0 =	vld [tilespmem:s24+$0xFFFFFFC0];
	_ =	sdelay $0x4  }
0x35: {  	v1 =	vshll.u32 v0, $0x10  }
0x36: {  	v0 =	vand.u32 $0xFFFF0000, v0;
	[tilespmem:s23+$0xFFFFFF80] =	vst v1  }
0x37: {  	[tilespmem:s23+$0xFFFFFF90] =	vst v0  }
0x38: {  	v0 =	vld [tilespmem:s24+$0xFFFFFFD0];
	_ =	sdelay $0x4  }
0x39: {  	v1 =	vshll.u32 v0, $0x10  }
0x3a: {  	v0 =	vand.u32 $0xFFFF0000, v0;
	[tilespmem:s23+$0xFFFFFFA0] =	vst v1  }
0x3b: {  	[tilespmem:s23+$0xFFFFFFB0] =	vst v0  }
0x3c: {  	v0 =	vld [tilespmem:s24+$0xFFFFFFE0];
	_ =	sdelay $0x4  }
0x3d: {  	v1 =	vshll.u32 v0, $0x10  }
0x3e: {  	v0 =	vand.u32 $0xFFFF0000, v0;
	[tilespmem:s23+$0xFFFFFFC0] =	vst v1  }
0x3f: {  	[tilespmem:s23+$0xFFFFFFD0] =	vst v0  }
0x40: {  	v0 =	vld [tilespmem:s24+$0xFFFFFFF0];
	_ =	sdelay $0x4  }
0x41: {  	v1 =	vshll.u32 v0, $0x10  }
0x42: {  	v0 =	vand.u32 $0xFFFF0000, v0;
	[tilespmem:s23+$0xFFFFFFE0] =	vst v1  }
0x43: {  	[tilespmem:s23+$0xFFFFFFF0] =	vst v0  }
0x44: {  	v0 =	vld [tilespmem:s24+$0x0];
	_ =	sdelay $0x4  }
0x45: {  	v1 =	vshll.u32 v0, $0x10  }
0x46: {  	v0 =	vand.u32 $0xFFFF0000, v0;
	[tilespmem:s23+$0x0] =	vst v1  }
0x47: {  	[tilespmem:s23+$0x10] =	vst v0  }
0x48: {  	v0 =	vld [tilespmem:s24+$0x10];
	_ =	sdelay $0x4  }
0x49: {  	v1 =	vshll.u32 v0, $0x10  }
0x4a: {  	v0 =	vand.u32 $0xFFFF0000, v0;
	[tilespmem:s23+$0x20] =	vst v1  }
0x4b: {  	[tilespmem:s23+$0x30] =	vst v0  }
0x4c: {  	v0 =	vld [tilespmem:s24+$0x20];
	_ =	sdelay $0x4  }
0x4d: {  	v1 =	vshll.u32 v0, $0x10  }
0x4e: {  	v0 =	vand.u32 $0xFFFF0000, v0;
	[tilespmem:s23+$0x40] =	vst v1  }
0x4f: {  	[tilespmem:s23+$0x50] =	vst v0  }
0x50: {  	v0 =	vld [tilespmem:s24+$0x30];
	_ =	sdelay $0x4  }
0x51: {  	v1 =	vshll.u32 v0, $0x10  }
0x52: {  	v0 =	vand.u32 $0xFFFF0000, v0;
	[tilespmem:s23+$0x60] =	vst v1  }
0x53: {  	[tilespmem:s23+$0x70] =	vst v0  }
0x54: {  	v0 =	vld [tilespmem:s24+$0x40];
	_ =	sdelay $0x4  }
0x55: {  	v1 =	vshll.u32 v0, $0x10  }
0x56: {  	v0 =	vand.u32 $0xFFFF0000, v0;
	[tilespmem:s23+$0x80] =	vst v1  }
0x57: {  	[tilespmem:s23+$0x90] =	vst v0  }
0x58: {  	v0 =	vld [tilespmem:s24+$0x50];
	_ =	sdelay $0x4  }
0x59: {  	v1 =	vshll.u32 v0, $0x10  }
0x5a: {  	s26 =	simm.s32 $0x0;
	s28 =	simm.s32 $0x6100;
	s25 =	simm.s32 $0x5080;
	v0 =	vand.u32 $0xFFFF0000, v0;
	[tilespmem:s23+$0xA0] =	vst v1  }
.LBB2_3:
0x5b: {  	s26 =	sadd.s32 $0x8, s26;
	[tilespmem:s23+$0xB0] =	vst v0;
	s24 =	sadd.s32 $0x100, s24;
	s28 =	sadd.s32 $0x200, s28  }
0x5c: {  	p0 =	slt.u32 s26, $0x78;
	v0 =	vld [tilespmem:s25+$0x60];
	_ =	sdelay $0x4  }
0x5d: {  	v1 =	vshll.u32 v0, $0x10;
	v0 =	vand.u32 $0xFFFF0000, v0  }
0x5e: {  	[tilespmem:s23+$0xC0] =	vst v1  }
0x5f: {  	[tilespmem:s23+$0xD0] =	vst v0  }
0x60: {  	v0 =	vld [tilespmem:s25+$0x70];
	s25 =	smov.u32 s24;
	_ =	sdelay $0x4  }
0x61: {  	v1 =	vshll.u32 v0, $0x10;
	v0 =	vand.u32 $0xFFFF0000, v0  }
0x62: {  	[tilespmem:s23+$0xE0] =	vst v1  }
0x63: {  	[tilespmem:s23+$0xF0] =	vst v0;
	s23 =	smov.u32 s28  }
0x64: {  	v0 =	vld [tilespmem:s24+$0xFFFFFF80];
	_ =	sdelay $0x4  }
0x65: {  	v1 =	vshll.u32 v0, $0x10;
	v0 =	vand.u32 $0xFFFF0000, v0  }
0x66: {  	[tilespmem:s28+$0xFFFFFF00] =	vst v1  }
0x67: {  	[tilespmem:s28+$0xFFFFFF10] =	vst v0  }
0x68: {  	v0 =	vld [tilespmem:s24+$0xFFFFFF90];
	_ =	sdelay $0x4  }
0x69: {  	v1 =	vshll.u32 v0, $0x10;
	v0 =	vand.u32 $0xFFFF0000, v0  }
0x6a: {  	[tilespmem:s28+$0xFFFFFF20] =	vst v1  }
0x6b: {  	[tilespmem:s28+$0xFFFFFF30] =	vst v0  }
0x6c: {  	v0 =	vld [tilespmem:s24+$0xFFFFFFA0];
	_ =	sdelay $0x4  }
0x6d: {  	v1 =	vshll.u32 v0, $0x10;
	v0 =	vand.u32 $0xFFFF0000, v0  }
0x6e: {  	[tilespmem:s28+$0xFFFFFF40] =	vst v1  }
0x6f: {  	[tilespmem:s28+$0xFFFFFF50] =	vst v0  }
0x70: {  	v0 =	vld [tilespmem:s24+$0xFFFFFFB0];
	_ =	sdelay $0x4  }
0x71: {  	v1 =	vshll.u32 v0, $0x10;
	v0 =	vand.u32 $0xFFFF0000, v0  }
0x72: {  	[tilespmem:s28+$0xFFFFFF60] =	vst v1  }
0x73: {  	[tilespmem:s28+$0xFFFFFF70] =	vst v0  }
0x74: {  	v0 =	vld [tilespmem:s24+$0xFFFFFFC0];
	_ =	sdelay $0x4  }
0x75: {  	v1 =	vshll.u32 v0, $0x10;
	v0 =	vand.u32 $0xFFFF0000, v0  }
0x76: {  	[tilespmem:s28+$0xFFFFFF80] =	vst v1  }
0x77: {  	[tilespmem:s28+$0xFFFFFF90] =	vst v0  }
0x78: {  	v0 =	vld [tilespmem:s24+$0xFFFFFFD0];
	_ =	sdelay $0x4  }
0x79: {  	v1 =	vshll.u32 v0, $0x10;
	v0 =	vand.u32 $0xFFFF0000, v0  }
0x7a: {  	[tilespmem:s28+$0xFFFFFFA0] =	vst v1  }
0x7b: {  	[tilespmem:s28+$0xFFFFFFB0] =	vst v0  }
0x7c: {  	v0 =	vld [tilespmem:s24+$0xFFFFFFE0];
	_ =	sdelay $0x4  }
0x7d: {  	v1 =	vshll.u32 v0, $0x10;
	v0 =	vand.u32 $0xFFFF0000, v0  }
0x7e: {  	[tilespmem:s28+$0xFFFFFFC0] =	vst v1  }
0x7f: {  	[tilespmem:s28+$0xFFFFFFD0] =	vst v0  }
0x80: {  	v0 =	vld [tilespmem:s24+$0xFFFFFFF0];
	_ =	sdelay $0x4  }
0x81: {  	v1 =	vshll.u32 v0, $0x10;
	v0 =	vand.u32 $0xFFFF0000, v0  }
0x82: {  	[tilespmem:s28+$0xFFFFFFE0] =	vst v1  }
0x83: {  	[tilespmem:s28+$0xFFFFFFF0] =	vst v0  }
0x84: {  	v0 =	vld [tilespmem:s24+$0x0];
	_ =	sdelay $0x4  }
0x85: {  	v1 =	vshll.u32 v0, $0x10;
	v0 =	vand.u32 $0xFFFF0000, v0  }
0x86: {  	[tilespmem:s28+$0x0] =	vst v1  }
0x87: {  	[tilespmem:s28+$0x10] =	vst v0  }
0x88: {  	v0 =	vld [tilespmem:s24+$0x10];
	_ =	sdelay $0x4  }
0x89: {  	v1 =	vshll.u32 v0, $0x10;
	v0 =	vand.u32 $0xFFFF0000, v0  }
0x8a: {  	[tilespmem:s28+$0x20] =	vst v1  }
0x8b: {  	[tilespmem:s28+$0x30] =	vst v0  }
0x8c: {  	v0 =	vld [tilespmem:s24+$0x20];
	_ =	sdelay $0x4  }
0x8d: {  	v1 =	vshll.u32 v0, $0x10;
	v0 =	vand.u32 $0xFFFF0000, v0  }
0x8e: {  	[tilespmem:s28+$0x40] =	vst v1  }
0x8f: {  	[tilespmem:s28+$0x50] =	vst v0  }
0x90: {  	v0 =	vld [tilespmem:s24+$0x30];
	_ =	sdelay $0x4  }
0x91: {  	v1 =	vshll.u32 v0, $0x10;
	v0 =	vand.u32 $0xFFFF0000, v0  }
0x92: {  	[tilespmem:s28+$0x60] =	vst v1  }
0x93: {  	[tilespmem:s28+$0x70] =	vst v0  }
0x94: {  	v0 =	vld [tilespmem:s24+$0x40];
	_ =	sdelay $0x4  }
0x95: {  	v1 =	vshll.u32 v0, $0x10;
	v0 =	vand.u32 $0xFFFF0000, v0  }
0x96: {  	[tilespmem:s28+$0x80] =	vst v1  }
0x97: {  	[tilespmem:s28+$0x90] =	vst v0  }
0x98: {  	v0 =	vld [tilespmem:s24+$0x50];
	_ =	sdelay $0x1  }
.Ltmp0:
0x99: {  	(pc) =	sbr.rel @p0 .LBB2_3-.Ltmp0, $3  }
0x9a: {  	_ =	sdelay $0x1  }
0x9b: {  	v1 =	vshll.u32 v0, $0x10;
	v0 =	vand.u32 $0xFFFF0000, v0  }
0x9c: {  	[tilespmem:s28+$0xA0] =	vst v1  }
0x9d: {  	[tilespmem:s23+$0xB0] =	vst v0  }
0x9e: {  	v0 =	vld [tilespmem:s25+$0x60];
	_ =	sdelay $0x4  }
0x9f: {  	v1 =	vshll.u32 v0, $0x10  }
0xa0: {  	v0 =	vand.u32 $0xFFFF0000, v0;
	[tilespmem:s23+$0xC0] =	vst v1  }
0xa1: {  	[tilespmem:s23+$0xD0] =	vst v0  }
0xa2: {  	v0 =	vld [tilespmem:s25+$0x70];
	_ =	sdelay $0x4  }
0xa3: {  	s21 =	sadd.s32 $0x1, s21;
	v63 =	vshll.u32 v0, $0x10  }
0xa4: {  	p0 =	sne.s32 s21, $0x50;
	v0 =	vand.u32 $0xFFFF0000, v0;
	[tilespmem:s23+$0xE0] =	vst v63  }
.Ltmp1:
0xa5: {  	s22 =	sadd.s32 $0x2800, s22;
	[tilespmem:s23+$0xF0] =	vst v0;
	(pc) =	sbr.rel @p0 .LBB2_2-.Ltmp1, $4  }
0xa6: {  	[spmem:s1] =	stream.indirect.scatter.add.f32 [tilespmem:s19], [sflag:$0x1], $0x40, s22, s17, $0xb8;
	[tilespmem:$0x12400] =	vst v63  }
0xa7: {  	_ =	swait.ge [sflag:s13], $0x2000  }
0xa8: {  	[sflag:s13] =	ssyncset.done $0x0  }
0xa9: {  	[sflag:s13] =	ssyncadd.s32 $0xFFFFE000  }
0xaa: {  	[bflag:$0x0] =	sbarrier.arrive $0xFFFF  }
0xab: {  	[hbm:s8], [sflag:s15] =	dma.local [spmem:s16], $0x1480  }
0xac: {  	_ =	swait.ge [sflag:s13], $0x1480  }
0xad: {  	[sflag:s13] =	ssyncset.done $0x0  }
0xae: {  	[sflag:s13] =	ssyncadd.s32 $0xFFFFEB80  }
0xaf: {  	[bflag:$0x0] =	sbarrier.arrive $0xFFFF  }
0xb0: {  	[spmem:s16], [sflag:s15] =	dma.local [hbm:s9], $0x1480  }
0xb1: {  	_ =	swait.ge [sflag:s13], $0x1480  }
0xb2: {  	[sflag:s13] =	ssyncset.done $0x0  }
0xb3: {  	[sflag:s13] =	ssyncadd.s32 $0xFFFFEB80  }
0xb4: {  	s21 =	simm.s32 $0x0;
	[bflag:$0x0] =	sbarrier.arrive $0xFFFF  }
.LBB2_6:
0xb5: {  	s22 =	sshll.u32 s21, $0x7  }
0xb6: {  	[tilespmem:s18], [sflag:$0x1] =	stream.indirect.gather [hbm4b:s10+s17], $0x20, s22, s17, $0xb8;
	[tilespmem:$0x12400] =	vst v63  }
0xb7: {  	_ =	swait.ge [sflag:s13], $0x1000  }
0xb8: {  	[sflag:s13] =	ssyncset.done $0x0  }
0xb9: {  	s24 =	simm.s32 $0x5080;
	[sflag:s13] =	ssyncadd.s32 $0xFFFFF000  }
0xba: {  	v0 =	vld [tilespmem:s24+$0xFFFFFF80];
	_ =	sdelay $0x4  }
0xbb: {  	s23 =	simm.s32 $0x6100;
	v1 =	vshll.u32 v0, $0x10  }
0xbc: {  	v0 =	vand.u32 $0xFFFF0000, v0;
	[tilespmem:s23+$0xFFFFFF00] =	vst v1  }
0xbd: {  	[tilespmem:s23+$0xFFFFFF10] =	vst v0  }
0xbe: {  	v0 =	vld [tilespmem:s24+$0xFFFFFF90];
	_ =	sdelay $0x4  }
0xbf: {  	v1 =	vshll.u32 v0, $0x10  }
0xc0: {  	v0 =	vand.u32 $0xFFFF0000, v0;
	[tilespmem:s23+$0xFFFFFF20] =	vst v1  }
0xc1: {  	[tilespmem:s23+$0xFFFFFF30] =	vst v0  }
0xc2: {  	v0 =	vld [tilespmem:s24+$0xFFFFFFA0];
	_ =	sdelay $0x4  }
0xc3: {  	v1 =	vshll.u32 v0, $0x10  }
0xc4: {  	v0 =	vand.u32 $0xFFFF0000, v0;
	[tilespmem:s23+$0xFFFFFF40] =	vst v1  }
0xc5: {  	[tilespmem:s23+$0xFFFFFF50] =	vst v0  }
0xc6: {  	v0 =	vld [tilespmem:s24+$0xFFFFFFB0];
	_ =	sdelay $0x4  }
0xc7: {  	v1 =	vshll.u32 v0, $0x10  }
0xc8: {  	v0 =	vand.u32 $0xFFFF0000, v0;
	[tilespmem:s23+$0xFFFFFF60] =	vst v1  }
0xc9: {  	[tilespmem:s23+$0xFFFFFF70] =	vst v0  }
0xca: {  	v0 =	vld [tilespmem:s24+$0xFFFFFFC0];
	_ =	sdelay $0x4  }
0xcb: {  	v1 =	vshll.u32 v0, $0x10  }
0xcc: {  	v0 =	vand.u32 $0xFFFF0000, v0;
	[tilespmem:s23+$0xFFFFFF80] =	vst v1  }
0xcd: {  	[tilespmem:s23+$0xFFFFFF90] =	vst v0  }
0xce: {  	v0 =	vld [tilespmem:s24+$0xFFFFFFD0];
	_ =	sdelay $0x4  }
0xcf: {  	v1 =	vshll.u32 v0, $0x10  }
0xd0: {  	v0 =	vand.u32 $0xFFFF0000, v0;
	[tilespmem:s23+$0xFFFFFFA0] =	vst v1  }
0xd1: {  	[tilespmem:s23+$0xFFFFFFB0] =	vst v0  }
0xd2: {  	v0 =	vld [tilespmem:s24+$0xFFFFFFE0];
	_ =	sdelay $0x4  }
0xd3: {  	v1 =	vshll.u32 v0, $0x10  }
0xd4: {  	v0 =	vand.u32 $0xFFFF0000, v0;
	[tilespmem:s23+$0xFFFFFFC0] =	vst v1  }
0xd5: {  	[tilespmem:s23+$0xFFFFFFD0] =	vst v0  }
0xd6: {  	v0 =	vld [tilespmem:s24+$0xFFFFFFF0];
	_ =	sdelay $0x4  }
0xd7: {  	v1 =	vshll.u32 v0, $0x10  }
0xd8: {  	v0 =	vand.u32 $0xFFFF0000, v0;
	[tilespmem:s23+$0xFFFFFFE0] =	vst v1  }
0xd9: {  	[tilespmem:s23+$0xFFFFFFF0] =	vst v0  }
0xda: {  	v0 =	vld [tilespmem:s24+$0x0];
	_ =	sdelay $0x4  }
0xdb: {  	v1 =	vshll.u32 v0, $0x10  }
0xdc: {  	v0 =	vand.u32 $0xFFFF0000, v0;
	[tilespmem:s23+$0x0] =	vst v1  }
0xdd: {  	[tilespmem:s23+$0x10] =	vst v0  }
0xde: {  	v0 =	vld [tilespmem:s24+$0x10];
	_ =	sdelay $0x4  }
0xdf: {  	v1 =	vshll.u32 v0, $0x10  }
0xe0: {  	v0 =	vand.u32 $0xFFFF0000, v0;
	[tilespmem:s23+$0x20] =	vst v1  }
0xe1: {  	[tilespmem:s23+$0x30] =	vst v0  }
0xe2: {  	v0 =	vld [tilespmem:s24+$0x20];
	_ =	sdelay $0x4  }
0xe3: {  	v1 =	vshll.u32 v0, $0x10  }
0xe4: {  	v0 =	vand.u32 $0xFFFF0000, v0;
	[tilespmem:s23+$0x40] =	vst v1  }
0xe5: {  	[tilespmem:s23+$0x50] =	vst v0  }
0xe6: {  	v0 =	vld [tilespmem:s24+$0x30];
	_ =	sdelay $0x4  }
0xe7: {  	v1 =	vshll.u32 v0, $0x10  }
0xe8: {  	v0 =	vand.u32 $0xFFFF0000, v0;
	[tilespmem:s23+$0x60] =	vst v1  }
0xe9: {  	[tilespmem:s23+$0x70] =	vst v0  }
0xea: {  	v0 =	vld [tilespmem:s24+$0x40];
	_ =	sdelay $0x4  }
0xeb: {  	v1 =	vshll.u32 v0, $0x10  }
0xec: {  	v0 =	vand.u32 $0xFFFF0000, v0;
	[tilespmem:s23+$0x80] =	vst v1  }
0xed: {  	[tilespmem:s23+$0x90] =	vst v0  }
0xee: {  	v0 =	vld [tilespmem:s24+$0x50];
	_ =	sdelay $0x4  }
0xef: {  	v1 =	vshll.u32 v0, $0x10  }
0xf0: {  	s26 =	simm.s32 $0x0;
	s28 =	simm.s32 $0x6100;
	s25 =	simm.s32 $0x5080;
	v0 =	vand.u32 $0xFFFF0000, v0;
	[tilespmem:s23+$0xA0] =	vst v1  }
.LBB2_7:
0xf1: {  	s26 =	sadd.s32 $0x8, s26;
	[tilespmem:s23+$0xB0] =	vst v0;
	s24 =	sadd.s32 $0x100, s24;
	s28 =	sadd.s32 $0x200, s28  }
0xf2: {  	p0 =	slt.u32 s26, $0x78;
	v0 =	vld [tilespmem:s25+$0x60];
	_ =	sdelay $0x4  }
0xf3: {  	v1 =	vshll.u32 v0, $0x10;
	v0 =	vand.u32 $0xFFFF0000, v0  }
0xf4: {  	[tilespmem:s23+$0xC0] =	vst v1  }
0xf5: {  	[tilespmem:s23+$0xD0] =	vst v0  }
0xf6: {  	v0 =	vld [tilespmem:s25+$0x70];
	s25 =	smov.u32 s24;
	_ =	sdelay $0x4  }
0xf7: {  	v1 =	vshll.u32 v0, $0x10;
	v0 =	vand.u32 $0xFFFF0000, v0  }
0xf8: {  	[tilespmem:s23+$0xE0] =	vst v1  }
0xf9: {  	[tilespmem:s23+$0xF0] =	vst v0;
	s23 =	smov.u32 s28  }
0xfa: {  	v0 =	vld [tilespmem:s24+$0xFFFFFF80];
	_ =	sdelay $0x4  }
0xfb: {  	v1 =	vshll.u32 v0, $0x10;
	v0 =	vand.u32 $0xFFFF0000, v0  }
0xfc: {  	[tilespmem:s28+$0xFFFFFF00] =	vst v1  }
0xfd: {  	[tilespmem:s28+$0xFFFFFF10] =	vst v0  }
0xfe: {  	v0 =	vld [tilespmem:s24+$0xFFFFFF90];
	_ =	sdelay $0x4  }
0xff: {  	v1 =	vshll.u32 v0, $0x10;
	v0 =	vand.u32 $0xFFFF0000, v0  }
0x100: {  	[tilespmem:s28+$0xFFFFFF20] =	vst v1  }
0x101: {  	[tilespmem:s28+$0xFFFFFF30] =	vst v0  }
0x102: {  	v0 =	vld [tilespmem:s24+$0xFFFFFFA0];
	_ =	sdelay $0x4  }
0x103: {  	v1 =	vshll.u32 v0, $0x10;
	v0 =	vand.u32 $0xFFFF0000, v0  }
0x104: {  	[tilespmem:s28+$0xFFFFFF40] =	vst v1  }
0x105: {  	[tilespmem:s28+$0xFFFFFF50] =	vst v0  }
0x106: {  	v0 =	vld [tilespmem:s24+$0xFFFFFFB0];
	_ =	sdelay $0x4  }
0x107: {  	v1 =	vshll.u32 v0, $0x10;
	v0 =	vand.u32 $0xFFFF0000, v0  }
0x108: {  	[tilespmem:s28+$0xFFFFFF60] =	vst v1  }
0x109: {  	[tilespmem:s28+$0xFFFFFF70] =	vst v0  }
0x10a: {  	v0 =	vld [tilespmem:s24+$0xFFFFFFC0];
	_ =	sdelay $0x4  }
0x10b: {  	v1 =	vshll.u32 v0, $0x10;
	v0 =	vand.u32 $0xFFFF0000, v0  }
0x10c: {  	[tilespmem:s28+$0xFFFFFF80] =	vst v1  }
0x10d: {  	[tilespmem:s28+$0xFFFFFF90] =	vst v0  }
0x10e: {  	v0 =	vld [tilespmem:s24+$0xFFFFFFD0];
	_ =	sdelay $0x4  }
0x10f: {  	v1 =	vshll.u32 v0, $0x10;
	v0 =	vand.u32 $0xFFFF0000, v0  }
0x110: {  	[tilespmem:s28+$0xFFFFFFA0] =	vst v1  }
0x111: {  	[tilespmem:s28+$0xFFFFFFB0] =	vst v0  }
0x112: {  	v0 =	vld [tilespmem:s24+$0xFFFFFFE0];
	_ =	sdelay $0x4  }
0x113: {  	v1 =	vshll.u32 v0, $0x10;
	v0 =	vand.u32 $0xFFFF0000, v0  }
0x114: {  	[tilespmem:s28+$0xFFFFFFC0] =	vst v1  }
0x115: {  	[tilespmem:s28+$0xFFFFFFD0] =	vst v0  }
0x116: {  	v0 =	vld [tilespmem:s24+$0xFFFFFFF0];
	_ =	sdelay $0x4  }
0x117: {  	v1 =	vshll.u32 v0, $0x10;
	v0 =	vand.u32 $0xFFFF0000, v0  }
0x118: {  	[tilespmem:s28+$0xFFFFFFE0] =	vst v1  }
0x119: {  	[tilespmem:s28+$0xFFFFFFF0] =	vst v0  }
0x11a: {  	v0 =	vld [tilespmem:s24+$0x0];
	_ =	sdelay $0x4  }
0x11b: {  	v1 =	vshll.u32 v0, $0x10;
	v0 =	vand.u32 $0xFFFF0000, v0  }
0x11c: {  	[tilespmem:s28+$0x0] =	vst v1  }
0x11d: {  	[tilespmem:s28+$0x10] =	vst v0  }
0x11e: {  	v0 =	vld [tilespmem:s24+$0x10];
	_ =	sdelay $0x4  }
0x11f: {  	v1 =	vshll.u32 v0, $0x10;
	v0 =	vand.u32 $0xFFFF0000, v0  }
0x120: {  	[tilespmem:s28+$0x20] =	vst v1  }
0x121: {  	[tilespmem:s28+$0x30] =	vst v0  }
0x122: {  	v0 =	vld [tilespmem:s24+$0x20];
	_ =	sdelay $0x4  }
0x123: {  	v1 =	vshll.u32 v0, $0x10;
	v0 =	vand.u32 $0xFFFF0000, v0  }
0x124: {  	[tilespmem:s28+$0x40] =	vst v1  }
0x125: {  	[tilespmem:s28+$0x50] =	vst v0  }
0x126: {  	v0 =	vld [tilespmem:s24+$0x30];
	_ =	sdelay $0x4  }
0x127: {  	v1 =	vshll.u32 v0, $0x10;
	v0 =	vand.u32 $0xFFFF0000, v0  }
0x128: {  	[tilespmem:s28+$0x60] =	vst v1  }
0x129: {  	[tilespmem:s28+$0x70] =	vst v0  }
0x12a: {  	v0 =	vld [tilespmem:s24+$0x40];
	_ =	sdelay $0x4  }
0x12b: {  	v1 =	vshll.u32 v0, $0x10;
	v0 =	vand.u32 $0xFFFF0000, v0  }
0x12c: {  	[tilespmem:s28+$0x80] =	vst v1  }
0x12d: {  	[tilespmem:s28+$0x90] =	vst v0  }
0x12e: {  	v0 =	vld [tilespmem:s24+$0x50];
	_ =	sdelay $0x1  }
.Ltmp2:
0x12f: {  	(pc) =	sbr.rel @p0 .LBB2_7-.Ltmp2, $3  }
0x130: {  	_ =	sdelay $0x1  }
0x131: {  	v1 =	vshll.u32 v0, $0x10;
	v0 =	vand.u32 $0xFFFF0000, v0  }
0x132: {  	[tilespmem:s28+$0xA0] =	vst v1  }
0x133: {  	[tilespmem:s23+$0xB0] =	vst v0  }
0x134: {  	v0 =	vld [tilespmem:s25+$0x60];
	_ =	sdelay $0x4  }
0x135: {  	v1 =	vshll.u32 v0, $0x10  }
0x136: {  	v0 =	vand.u32 $0xFFFF0000, v0;
	[tilespmem:s23+$0xC0] =	vst v1  }
0x137: {  	[tilespmem:s23+$0xD0] =	vst v0  }
0x138: {  	v0 =	vld [tilespmem:s25+$0x70];
	_ =	sdelay $0x4  }
0x139: {  	s21 =	sadd.s32 $0x1, s21;
	v63 =	vshll.u32 v0, $0x10  }
0x13a: {  	p0 =	sne.s32 s21, $0x50;
	v0 =	vand.u32 $0xFFFF0000, v0;
	[tilespmem:s23+$0xE0] =	vst v63  }
.Ltmp3:
0x13b: {  	s22 =	sadd.s32 $0x2800, s22;
	[tilespmem:s23+$0xF0] =	vst v0;
	(pc) =	sbr.rel @p0 .LBB2_6-.Ltmp3, $4  }
0x13c: {  	[spmem:s1] =	stream.indirect.scatter.add.f32 [tilespmem:s19], [sflag:$0x1], $0x40, s22, s17, $0xb8;
	[tilespmem:$0x12400] =	vst v63  }
0x13d: {  	_ =	swait.ge [sflag:s13], $0x2000  }
0x13e: {  	[sflag:s13] =	ssyncset.done $0x0  }
0x13f: {  	[sflag:s13] =	ssyncadd.s32 $0xFFFFE000  }
0x140: {  	[bflag:$0x0] =	sbarrier.arrive $0xFFFF;
	s20 =	sadd.s32 $0x1, s20  }
0x141: {  	[hbm:s11], [sflag:s15] =	dma.local [spmem:s16], $0x1480  }
0x142: {  	p0 =	sne.s32 s20, s12  }
.Ltmp4:
0x143: {  	_ =	swait.ge [sflag:s13], $0x1480;
	(pc) =	sbr.rel @p0 .LBB2_1-.Ltmp4, $3  }
0x144: {  	[sflag:s13] =	ssyncset.done $0x0  }
0x145: {  	[sflag:s13] =	ssyncadd.s32 $0xFFFFEB80  }
0x146: {  	[bflag:$0x0] =	sbarrier.arrive $0xFFFF;
	_ =	sdelay $0x1  }
0x147: {  	_ =	sfence.sel $0x180000  }
0x148: {  	[bflag:$0x0] =	sbarrier.arrive $0xFFFF  }
0x149: {  	p0 =	sne.s32 s2, $0x0;
	_ =	strace $0x9000004A  }
0x14a: {  	s0 =	sadd.s32 @!p0 $0x100000, s0;
	[bflag:$0x2] =	sbarrier.arrive $0xFFFF  }
0x14b: {  	[sflag:s0] =	ssyncadd.tile.s32 @!p0 $0x1;
	_ =	shalt  }
.Lfunc_end2:
_tile_overlayer_lowered:
.L_overlay_start_2:
0x14c: {  	(tag) =	ssettag $0x2  }
0x14d: {  	s0 =	rddreg [dreg:$0x0];
	s2 =	stileid.u32  }
0x14e: {  	s1 =	rddreg [dreg:$0x1];
	p0 =	sne.s32 s2, $0x0  }
0x14f: {  	s3 =	rddreg [dreg:$0x2];
	[bflag:$0x3] =	sbarrier.arrive $0xFFFF;
	s2 =	simm.s32 @!p0 $0x1C01  }
0x150: {  	[timem:s3], [sflag:s2] =	dma.local @!p0 [hbm:s0], s1  }
0x151: {  	s0 =	simm.s32 @!p0 $0x1  }
0x152: {  	_ =	swait.ge @!p0 [sflag:s0], s1  }
0x153: {  	s1 =	ssub.s32 @!p0 $0x0, s1;
	[sflag:s0] =	ssyncset.done @!p0 $0x0  }
0x154: {  	[sflag:s0] =	ssyncadd.s32 @!p0 s1  }
0x155: {  	[bflag:$0x3] =	sbarrier.arrive $0xFFFF  }
0x156: {  	_ =	shalt  }

</sc_bundles>
